<compile_context>
chip_gen: v7x
topology: tpu7x:2x2x1
jax: 0.10.2.dev20260603
libtpu: 0.0.44.dev20260713+nightly
codegen_flags: <defaults>
</compile_context>

<pallas_src>
import jax
import jax.numpy as jnp
from jax import lax
from jax.experimental import pallas as pl
from jax.experimental.pallas import tpu as pltpu
from jax.experimental.pallas import tpu_sc as plsc

N_NODES = 10000
N_EDGES = 320000
D = 128

NC = 2
NS = 16
NW = NC * NS
FPT = 8
CW = 4 * N_NODES
EPH = N_EDGES // 2

C = 2000
NCHUNK = EPH // C
NEG_INF = float("-inf")
NEG_PACKED = -8323200


def _bmax(x, y):
    xb = plsc.bitcast(x, jnp.bfloat16)
    yb = plsc.bitcast(y, jnp.bfloat16)
    return plsc.bitcast(jnp.maximum(xb, yb), jnp.int32)


def _sc_body(nft_hbm, src_hbm, dst_hbm, out0_hbm, out1_hbm,
             cols, acc0, acc1, srcbuf, dstbuf, sem_c, sem_e):
    cid = lax.axis_index("c")
    sid = lax.axis_index("s")
    wid = sid * NC + cid
    eh = wid & 1
    fg = lax.shift_right_logical(wid, 1)
    ebase0 = eh * EPH

    lane = lax.iota(jnp.int32, 16)
    l4 = lax.shift_right_logical(lane, 2)
    coloff = (lane & 3) * N_NODES
    perms = [lane ^ 4, lane ^ 8, lane ^ 12]
    neg = jnp.full((16,), NEG_PACKED, jnp.int32)

    pltpu.async_copy(nft_hbm.at[pl.ds(fg * CW, CW)], cols, sem_c)

    def init_body(i, carry):
        acc0[pl.ds(i * 16, 16)] = neg
        acc1[pl.ds(i * 16, 16)] = neg
        return carry
    lax.fori_loop(0, CW // 16, init_body, 0)

    pltpu.async_copy(src_hbm.at[pl.ds(ebase0, C)], srcbuf.at[pl.ds(0, C)],
                     sem_e)
    pltpu.async_copy(dst_hbm.at[pl.ds(ebase0, C)], dstbuf.at[pl.ds(0, C)],
                     sem_e)
    pltpu.make_async_copy(nft_hbm.at[pl.ds(0, CW)], cols, sem_c).wait()

    def chunk_body(c, carry):
        b = lax.rem(c, 2)
        nb = 1 - b

        @pl.when(c + 1 < NCHUNK)
        def _fire_next():
            base2 = ebase0 + (c + 1) * C
            pltpu.async_copy(src_hbm.at[pl.ds(base2, C)],
                             srcbuf.at[pl.ds(nb * C, C)], sem_e)
            pltpu.async_copy(dst_hbm.at[pl.ds(base2, C)],
                             dstbuf.at[pl.ds(nb * C, C)], sem_e)

        pltpu.make_async_copy(src_hbm.at[pl.ds(0, C)],
                              srcbuf.at[pl.ds(b * C, C)], sem_e).wait()
        pltpu.make_async_copy(src_hbm.at[pl.ds(0, C)],
                              dstbuf.at[pl.ds(b * C, C)], sem_e).wait()

        base = b * C

        def vbody(i, carry2):
            work = []
            for u in range(4):
                eb = base + i * 16 + u * 4
                ei = jnp.full((16,), eb, jnp.int32) + l4
                src_rep = plsc.load_gather(srcbuf, [ei])
                dst_rep = plsc.load_gather(dstbuf, [ei])
                vals = plsc.load_gather(cols, [coloff + src_rep])
                for p in perms:
                    dr = dst_rep.at[p].get(mode="promise_in_bounds")
                    vr = vals.at[p].get(mode="promise_in_bounds")
                    vals = jnp.where(dst_rep == dr, _bmax(vals, vr), vals)
                work.append((coloff + dst_rep, vals))
            for u, (aidx, vals) in enumerate(work):
                acc_x = acc0 if u % 2 == 0 else acc1
                a = plsc.load_gather(acc_x, [aidx])
                plsc.store_scatter(acc_x, [aidx], _bmax(a, vals))
            return carry2
        lax.fori_loop(0, C // 16, vbody, 0)
        return carry
    lax.fori_loop(0, NCHUNK, chunk_body, 0)

    def out_body(i, carry):
        acc0[pl.ds(i * 16, 16)] = _bmax(acc0[pl.ds(i * 16, 16)],
                                        acc1[pl.ds(i * 16, 16)])
        return carry
    lax.fori_loop(0, CW // 16, out_body, 0)

    @pl.when(eh == 0)
    def _w0():
        pltpu.sync_copy(acc0, out0_hbm.at[pl.ds(fg * CW, CW)])

    @pl.when(eh == 1)
    def _w1():
        pltpu.sync_copy(acc0, out1_hbm.at[pl.ds(fg * CW, CW)])


@jax.jit
def _sc_call(nft, src, dst):
    mesh = plsc.VectorSubcoreMesh(core_axis_name="c", subcore_axis_name="s",
                                  num_cores=NC, num_subcores=NS)
    return pl.kernel(
        _sc_body,
        out_type=[jax.ShapeDtypeStruct((D // 2 * N_NODES,), jnp.int32),
                  jax.ShapeDtypeStruct((D // 2 * N_NODES,), jnp.int32)],
        mesh=mesh,
        scratch_types=[
            pltpu.VMEM((CW,), jnp.int32),
            pltpu.VMEM((CW,), jnp.int32),
            pltpu.VMEM((CW,), jnp.int32),
            pltpu.VMEM((2 * C,), jnp.int32),
            pltpu.VMEM((2 * C,), jnp.int32),
            pltpu.SemaphoreType.DMA,
            pltpu.SemaphoreType.DMA,
        ],
        compiler_params=pltpu.CompilerParams(needs_layout_passes=False),
    )(nft, src, dst)


def kernel(node_feats, edge_index):
    src = edge_index[0].astype(jnp.int32)
    dst = edge_index[1].astype(jnp.int32)
    nfb = node_feats.astype(jnp.bfloat16).T
    pk = jax.lax.bitcast_convert_type(
        nfb.reshape(D // 2, 2, N_NODES).transpose(0, 2, 1), jnp.int32)
    o0, o1 = _sc_call(pk.reshape(-1), src, dst)
    ob0 = jax.lax.bitcast_convert_type(
        o0.reshape(D // 2, N_NODES), jnp.bfloat16)
    ob1 = jax.lax.bitcast_convert_type(
        o1.reshape(D // 2, N_NODES), jnp.bfloat16)
    of = jnp.maximum(ob0, ob1).astype(jnp.float32)
    of = jnp.where(jnp.isneginf(of), jnp.float32(0.0), of)
    return of.transpose(1, 0, 2).reshape(N_NODES, D)

# --- scband reference (transcript-rebuilt; emitter-appended) ---
"""Pipeline reference for scband-max-pool-layer-60473139527695 (READ-ONLY COPY).

The authoritative reference and input builder live on the scoring server;
editing this copy changes nothing except your own understanding.
"""

import jax, jax.numpy as jnp
import numpy as np

N_NODES = 10000
N_EDGES = 320000
D_FEAT = 128


def setup_inputs(seed: int = 0) -> dict:
    key = jax.random.key(seed)
    k1, k2 = jax.random.split(key)
    node_feats = jax.random.normal(k1, (N_NODES, D_FEAT), dtype=jnp.float32)
    edge_index = jax.random.randint(k2, (2, N_EDGES), 0, N_NODES)
    return {"node_feats": node_feats, "edge_index": edge_index}


def reference(node_feats, edge_index):
    # DGL: graph.update_all(fn.copy_u('h','m'), fn.max('m','h_max'))
    # message on edge e=(u,v) is node_feats[u]; per-dst-node max reduction.
    src = edge_index[0]
    dst = edge_index[1]
    msgs = jnp.take(node_feats, src, axis=0)  # gather: copy_u
    h_max = jax.ops.segment_max(msgs, dst, num_segments=node_feats.shape[0])
    # DGL fills nodes with no in-edges with 0; segment_max yields -inf there.
    h_max = jnp.where(jnp.isneginf(h_max), jnp.zeros_like(h_max), h_max)
    return h_max

if __name__ == "__main__":
    import jax
    _d = setup_inputs()
    print(jax.jit(kernel)(*tuple(_d.values())))

</pallas_src>

<mosaic_0001>
#map = affine_map<(d0, d1) -> (0)>
module attributes {stable_mosaic.version = 14 : i64} {
  func.func @_sc_body(%arg0: i32, %arg1: i32, %arg2: memref<640000xi32, #tpu.memory_space<hbm>>, %arg3: memref<320000xi32, #tpu.memory_space<hbm>>, %arg4: memref<320000xi32, #tpu.memory_space<hbm>>, %arg5: memref<640000xi32, #tpu.memory_space<hbm>>, %arg6: memref<640000xi32, #tpu.memory_space<hbm>>, %arg7: memref<40000xi32, #tpu.memory_space<vmem>>, %arg8: memref<40000xi32, #tpu.memory_space<vmem>>, %arg9: memref<40000xi32, #tpu.memory_space<vmem>>, %arg10: memref<4000xi32, #tpu.memory_space<vmem>>, %arg11: memref<4000xi32, #tpu.memory_space<vmem>>, %arg12: memref<!tpu.dma_semaphore, #tpu.memory_space<semaphore_mem>>, %arg13: memref<!tpu.dma_semaphore, #tpu.memory_space<semaphore_mem>>) attributes {dimension_semantics = [#tpu.dimension_semantics<core_parallel>, #tpu.dimension_semantics<subcore_parallel>], iteration_bounds = array<i64: 2, 16>, scalar_prefetch = 0 : i64, scratch_operands = 7 : i64, tpu.core_type = #tpu.core_type<sc_vector_subcore>, window_params = [{transform_indices = #map}, {transform_indices = #map}, {transform_indices = #map}, {transform_indices = #map}, {transform_indices = #map}]} {
    %mul3A = arith.constant 2 : i32
    %mul3A_0 = arith.muli %arg1, %mul3A : i32
    %add3A = arith.addi %mul3A_0, %arg0 : i32
    %and3A = arith.constant 1 : i32
    %and3A_1 = arith.andi %add3A, %and3A : i32
    %shift_right_logical3A = arith.constant 1 : i32
    %shift_right_logical3A_2 = arith.shrui %add3A, %shift_right_logical3A : i32
    %mul3A_3 = arith.constant 160000 : i32
    %mul3A_4 = arith.muli %and3A_1, %mul3A_3 : i32
    %iota3A = tpu.iota {dimensions = array<i32: 0>} : vector<16xi32>
    %shift_right_logical3A_5 = arith.constant 2 : i32
    %shift_right_logical3A_6 = vector.broadcast %shift_right_logical3A_5 : i32 to vector<16xi32>
    %shift_right_logical3A_7 = arith.shrui %iota3A, %shift_right_logical3A_6 : vector<16xi32>
    %and3A_8 = arith.constant 3 : i32
    %and3A_9 = vector.broadcast %and3A_8 : i32 to vector<16xi32>
    %and3A_10 = arith.andi %iota3A, %and3A_9 : vector<16xi32>
    %mul3A_11 = arith.constant 10000 : i32
    %mul3A_12 = vector.broadcast %mul3A_11 : i32 to vector<16xi32>
    %mul3A_13 = arith.muli %and3A_10, %mul3A_12 : vector<16xi32>
    %xor3A = arith.constant 4 : i32
    %xor3A_14 = vector.broadcast %xor3A : i32 to vector<16xi32>
    %xor3A_15 = arith.xori %iota3A, %xor3A_14 : vector<16xi32>
    %xor3A_16 = arith.constant 8 : i32
    %xor3A_17 = vector.broadcast %xor3A_16 : i32 to vector<16xi32>
    %xor3A_18 = arith.xori %iota3A, %xor3A_17 : vector<16xi32>
    %xor3A_19 = arith.constant 12 : i32
    %xor3A_20 = vector.broadcast %xor3A_19 : i32 to vector<16xi32>
    %xor3A_21 = arith.xori %iota3A, %xor3A_20 : vector<16xi32>
    %broadcast_in_dim3A = arith.constant -8323200 : i32
    %broadcast_in_dim3A_22 = vector.broadcast %broadcast_in_dim3A : i32 to vector<16xi32>
    %mul3A_23 = arith.constant 40000 : i32
    %mul3A_24 = arith.muli %shift_right_logical3A_2, %mul3A_23 : i32
    %dma_start3A = tpu.memref_slice %arg2[%mul3A_24] : memref<640000xi32, #tpu.memory_space<hbm>> -> memref<40000xi32, #tpu.memory_space<hbm>>
    %dma_start3A_25 = tpu.memref_slice %arg2[%mul3A_24] : memref<640000xi32, #tpu.memory_space<hbm>> -> memref<40000xi32, #tpu.memory_space<hbm>>
    tpu.enqueue_dma source(%dma_start3A_25 : memref<40000xi32, #tpu.memory_space<hbm>>) target(%arg7 : memref<40000xi32, #tpu.memory_space<vmem>>) target_semaphore(%arg12 : memref<!tpu.dma_semaphore, #tpu.memory_space<semaphore_mem>>)
    %scan3A = arith.constant 0 : i32
    %scan3A_26 = arith.constant 0 : i32
    %scan3A_27 = arith.constant 2500 : i32
    %scan3A_28 = arith.addi %scan3A_26, %scan3A_27 : i32
    %scan3A_29 = arith.constant 1 : i32
    scf.for %scan3A_65 = %scan3A_26 to %scan3A_28 step %scan3A_29  : i32 {
      %mul3A_66 = arith.constant 16 : i32
      %mul3A_67 = arith.muli %scan3A_65, %mul3A_66 : i32
      %swap3A = arith.index_cast %mul3A_67 : i32 to index
      %swap3A_68 = tpu.vector_load %arg8[%swap3A] {strides = array<i32>} : memref<40000xi32, #tpu.memory_space<vmem>>, vector<16xi32>,
      tpu.vector_store %arg8[%swap3A], %broadcast_in_dim3A_22 {strides = array<i32>} : memref<40000xi32, #tpu.memory_space<vmem>>, vector<16xi32>,
      %mul3A_69 = arith.constant 16 : i32
      %mul3A_70 = arith.muli %scan3A_65, %mul3A_69 : i32
      %swap3A_71 = arith.index_cast %mul3A_70 : i32 to index
      %swap3A_72 = tpu.vector_load %arg9[%swap3A_71] {strides = array<i32>} : memref<40000xi32, #tpu.memory_space<vmem>>, vector<16xi32>,
      tpu.vector_store %arg9[%swap3A_71], %broadcast_in_dim3A_22 {strides = array<i32>} : memref<40000xi32, #tpu.memory_space<vmem>>, vector<16xi32>,
    }
    %scan3A_30 = arith.constant 2500 : i32
    %dma_start3A_31 = arith.constant 0 : i32
    %dma_start3A_32 = tpu.memref_slice %arg10[%dma_start3A_31] : memref<4000xi32, #tpu.memory_space<vmem>> -> memref<2000xi32, #tpu.memory_space<vmem>>
    %dma_start3A_33 = tpu.memref_slice %arg3[%mul3A_4] : memref<320000xi32, #tpu.memory_space<hbm>> -> memref<2000xi32, #tpu.memory_space<hbm>>
    %dma_start3A_34 = arith.constant 0 : i32
    %dma_start3A_35 = tpu.memref_slice %arg10[%dma_start3A_34] : memref<4000xi32, #tpu.memory_space<vmem>> -> memref<2000xi32, #tpu.memory_space<vmem>>
    %dma_start3A_36 = tpu.memref_slice %arg3[%mul3A_4] : memref<320000xi32, #tpu.memory_space<hbm>> -> memref<2000xi32, #tpu.memory_space<hbm>>
    tpu.enqueue_dma source(%dma_start3A_36 : memref<2000xi32, #tpu.memory_space<hbm>>) target(%dma_start3A_35 : memref<2000xi32, #tpu.memory_space<vmem>>) target_semaphore(%arg13 : memref<!tpu.dma_semaphore, #tpu.memory_space<semaphore_mem>>)
    %dma_start3A_37 = arith.constant 0 : i32
    %dma_start3A_38 = tpu.memref_slice %arg11[%dma_start3A_37] : memref<4000xi32, #tpu.memory_space<vmem>> -> memref<2000xi32, #tpu.memory_space<vmem>>
    %dma_start3A_39 = tpu.memref_slice %arg4[%mul3A_4] : memref<320000xi32, #tpu.memory_space<hbm>> -> memref<2000xi32, #tpu.memory_space<hbm>>
    %dma_start3A_40 = arith.constant 0 : i32
    %dma_start3A_41 = tpu.memref_slice %arg11[%dma_start3A_40] : memref<4000xi32, #tpu.memory_space<vmem>> -> memref<2000xi32, #tpu.memory_space<vmem>>
    %dma_start3A_42 = tpu.memref_slice %arg4[%mul3A_4] : memref<320000xi32, #tpu.memory_space<hbm>> -> memref<2000xi32, #tpu.memory_space<hbm>>
    tpu.enqueue_dma source(%dma_start3A_42 : memref<2000xi32, #tpu.memory_space<hbm>>) target(%dma_start3A_41 : memref<2000xi32, #tpu.memory_space<vmem>>) target_semaphore(%arg13 : memref<!tpu.dma_semaphore, #tpu.memory_space<semaphore_mem>>)
    %dma_wait3A = arith.constant 0 : i32
    %dma_wait3A_43 = tpu.memref_slice %arg2[%dma_wait3A] : memref<640000xi32, #tpu.memory_space<hbm>> -> memref<40000xi32, #tpu.memory_space<hbm>>
    %dma_wait3A_44 = arith.constant 0 : i32
    %dma_wait3A_45 = tpu.memref_slice %arg2[%dma_wait3A_44] : memref<640000xi32, #tpu.memory_space<hbm>> -> memref<40000xi32, #tpu.memory_space<hbm>>
    tpu.wait_dma2 semaphore(%arg12 : memref<!tpu.dma_semaphore, #tpu.memory_space<semaphore_mem>>) src(%dma_wait3A_45 : memref<40000xi32, #tpu.memory_space<hbm>>) dst(%arg7 : memref<40000xi32, #tpu.memory_space<vmem>>)
    %scan3A_46 = arith.constant 0 : i32
    %scan3A_47 = arith.constant 0 : i32
    %scan3A_48 = arith.constant 80 : i32
    %scan3A_49 = arith.addi %scan3A_47, %scan3A_48 : i32
    %scan3A_50 = arith.constant 1 : i32
    scf.for %scan3A_65 = %scan3A_47 to %scan3A_49 step %scan3A_50  : i32 {
      %rem3A = arith.constant 2 : i32
      %rem3A_66 = arith.remsi %scan3A_65, %rem3A : i32
      %sub3A = arith.constant 1 : i32
      %sub3A_67 = arith.subi %sub3A, %rem3A_66 : i32
      %add3A_68 = arith.constant 1 : i32
      %add3A_69 = arith.addi %scan3A_65, %add3A_68 : i32
      %lt3A = arith.constant 80 : i32
      %lt3A_70 = arith.cmpi slt, %add3A_69, %lt3A : i32
      %convert_element_type3A_71 = arith.extui %lt3A_70 : i1 to i32
      %cond3A_72 = arith.constant 0 : i32
      %cond3A_73 = arith.cmpi ne, %convert_element_type3A_71, %cond3A_72 : i32
      scf.if %cond3A_73 {
        %add3A_98 = arith.constant 1 : i32
        %add3A_99 = arith.addi %scan3A_65, %add3A_98 : i32
        %mul3A_100 = arith.constant 2000 : i32
        %mul3A_101 = arith.muli %add3A_99, %mul3A_100 : i32
        %add3A_102 = arith.addi %mul3A_4, %mul3A_101 : i32
        %mul3A_103 = arith.constant 2000 : i32
        %mul3A_104 = arith.muli %sub3A_67, %mul3A_103 : i32
        %dma_start3A_105 = tpu.memref_slice %arg10[%mul3A_104] : memref<4000xi32, #tpu.memory_space<vmem>> -> memref<2000xi32, #tpu.memory_space<vmem>>
        %dma_start3A_106 = tpu.memref_slice %arg3[%add3A_102] : memref<320000xi32, #tpu.memory_space<hbm>> -> memref<2000xi32, #tpu.memory_space<hbm>>
        %dma_start3A_107 = tpu.memref_slice %arg10[%mul3A_104] : memref<4000xi32, #tpu.memory_space<vmem>> -> memref<2000xi32, #tpu.memory_space<vmem>>
        %dma_start3A_108 = tpu.memref_slice %arg3[%add3A_102] : memref<320000xi32, #tpu.memory_space<hbm>> -> memref<2000xi32, #tpu.memory_space<hbm>>
        tpu.enqueue_dma source(%dma_start3A_108 : memref<2000xi32, #tpu.memory_space<hbm>>) target(%dma_start3A_107 : memref<2000xi32, #tpu.memory_space<vmem>>) target_semaphore(%arg13 : memref<!tpu.dma_semaphore, #tpu.memory_space<semaphore_mem>>)
        %mul3A_109 = arith.constant 2000 : i32
        %mul3A_110 = arith.muli %sub3A_67, %mul3A_109 : i32
        %dma_start3A_111 = tpu.memref_slice %arg11[%mul3A_110] : memref<4000xi32, #tpu.memory_space<vmem>> -> memref<2000xi32, #tpu.memory_space<vmem>>
        %dma_start3A_112 = tpu.memref_slice %arg4[%add3A_102] : memref<320000xi32, #tpu.memory_space<hbm>> -> memref<2000xi32, #tpu.memory_space<hbm>>
        %dma_start3A_113 = tpu.memref_slice %arg11[%mul3A_110] : memref<4000xi32, #tpu.memory_space<vmem>> -> memref<2000xi32, #tpu.memory_space<vmem>>
        %dma_start3A_114 = tpu.memref_slice %arg4[%add3A_102] : memref<320000xi32, #tpu.memory_space<hbm>> -> memref<2000xi32, #tpu.memory_space<hbm>>
        tpu.enqueue_dma source(%dma_start3A_114 : memref<2000xi32, #tpu.memory_space<hbm>>) target(%dma_start3A_113 : memref<2000xi32, #tpu.memory_space<vmem>>) target_semaphore(%arg13 : memref<!tpu.dma_semaphore, #tpu.memory_space<semaphore_mem>>)
      } else {
      }
      %mul3A_74 = arith.constant 2000 : i32
      %mul3A_75 = arith.muli %rem3A_66, %mul3A_74 : i32
      %dma_wait3A_76 = tpu.memref_slice %arg10[%mul3A_75] : memref<4000xi32, #tpu.memory_space<vmem>> -> memref<2000xi32, #tpu.memory_space<vmem>>
      %dma_wait3A_77 = arith.constant 0 : i32
      %dma_wait3A_78 = tpu.memref_slice %arg3[%dma_wait3A_77] : memref<320000xi32, #tpu.memory_space<hbm>> -> memref<2000xi32, #tpu.memory_space<hbm>>
      %dma_wait3A_79 = tpu.memref_slice %arg10[%mul3A_75] : memref<4000xi32, #tpu.memory_space<vmem>> -> memref<2000xi32, #tpu.memory_space<vmem>>
      %dma_wait3A_80 = arith.constant 0 : i32
      %dma_wait3A_81 = tpu.memref_slice %arg3[%dma_wait3A_80] : memref<320000xi32, #tpu.memory_space<hbm>> -> memref<2000xi32, #tpu.memory_space<hbm>>
      tpu.wait_dma2 semaphore(%arg13 : memref<!tpu.dma_semaphore, #tpu.memory_space<semaphore_mem>>) src(%dma_wait3A_81 : memref<2000xi32, #tpu.memory_space<hbm>>) dst(%dma_wait3A_79 : memref<2000xi32, #tpu.memory_space<vmem>>)
      %mul3A_82 = arith.constant 2000 : i32
      %mul3A_83 = arith.muli %rem3A_66, %mul3A_82 : i32
      %dma_wait3A_84 = tpu.memref_slice %arg11[%mul3A_83] : memref<4000xi32, #tpu.memory_space<vmem>> -> memref<2000xi32, #tpu.memory_space<vmem>>
      %dma_wait3A_85 = arith.constant 0 : i32
      %dma_wait3A_86 = tpu.memref_slice %arg3[%dma_wait3A_85] : memref<320000xi32, #tpu.memory_space<hbm>> -> memref<2000xi32, #tpu.memory_space<hbm>>
      %dma_wait3A_87 = tpu.memref_slice %arg11[%mul3A_83] : memref<4000xi32, #tpu.memory_space<vmem>> -> memref<2000xi32, #tpu.memory_space<vmem>>
      %dma_wait3A_88 = arith.constant 0 : i32
      %dma_wait3A_89 = tpu.memref_slice %arg3[%dma_wait3A_88] : memref<320000xi32, #tpu.memory_space<hbm>> -> memref<2000xi32, #tpu.memory_space<hbm>>
      tpu.wait_dma2 semaphore(%arg13 : memref<!tpu.dma_semaphore, #tpu.memory_space<semaphore_mem>>) src(%dma_wait3A_89 : memref<2000xi32, #tpu.memory_space<hbm>>) dst(%dma_wait3A_87 : memref<2000xi32, #tpu.memory_space<vmem>>)
      %mul3A_90 = arith.constant 2000 : i32
      %mul3A_91 = arith.muli %rem3A_66, %mul3A_90 : i32
      %scan3A_92 = arith.constant 0 : i32
      %scan3A_93 = arith.constant 0 : i32
      %scan3A_94 = arith.constant 125 : i32
      %scan3A_95 = arith.addi %scan3A_93, %scan3A_94 : i32
      %scan3A_96 = arith.constant 1 : i32
      scf.for %scan3A_98 = %scan3A_93 to %scan3A_95 step %scan3A_96  : i32 {
        %mul3A_99 = arith.constant 16 : i32
        %mul3A_100 = arith.muli %scan3A_98, %mul3A_99 : i32
        %add3A_101 = arith.addi %mul3A_91, %mul3A_100 : i32
        %add3A_102 = arith.constant 0 : i32
        %add3A_103 = arith.addi %add3A_101, %add3A_102 : i32
        %broadcast_in_dim3A_104 = vector.broadcast %add3A_103 : i32 to vector<16xi32>
        %add3A_105 = arith.addi %broadcast_in_dim3A_104, %shift_right_logical3A_7 : vector<16xi32>
        %gather3A = tpu.vector_load_idx %arg10[%add3A_105] : memref<4000xi32, #tpu.memory_space<vmem>>[vector<16xi32>], vector<16xi32>,
        %gather3A_106 = tpu.vector_load_idx %arg11[%add3A_105] : memref<4000xi32, #tpu.memory_space<vmem>>[vector<16xi32>], vector<16xi32>,
        %add3A_107 = arith.addi %mul3A_13, %gather3A : vector<16xi32>
        %gather3A_108 = tpu.vector_load_idx %arg7[%add3A_107] : memref<40000xi32, #tpu.memory_space<vmem>>[vector<16xi32>], vector<16xi32>,
        %lt3A_109 = arith.constant 0 : i32
        %lt3A_110 = vector.broadcast %lt3A_109 : i32 to vector<16xi32>
        %lt3A_111 = arith.cmpi slt, %xor3A_15, %lt3A_110 : vector<16xi32>
        %add3A_112 = arith.constant 16 : i32
        %add3A_113 = vector.broadcast %add3A_112 : i32 to vector<16xi32>
        %add3A_114 = arith.addi %xor3A_15, %add3A_113 : vector<16xi32>
        %select_n3A = arith.select %lt3A_111, %add3A_114, %xor3A_15 : vector<16xi1>, vector<16xi32>
        %broadcast_in_dim3A_115 = vector.shape_cast %select_n3A : vector<16xi32> to vector<16x1xi32>
        %gather3A_116 = vector.shape_cast %broadcast_in_dim3A_115 : vector<16x1xi32> to vector<16xi32>
        %gather3A_117 = tpu.dynamic_gather %gather3A_106[%gather3A_116] in [0] : vector<16xi32>, vector<16xi32> -> vector<16xi32>
        %lt3A_118 = arith.constant 0 : i32
        %lt3A_119 = vector.broadcast %lt3A_118 : i32 to vector<16xi32>
        %lt3A_120 = arith.cmpi slt, %xor3A_15, %lt3A_119 : vector<16xi32>
        %add3A_121 = arith.constant 16 : i32
        %add3A_122 = vector.broadcast %add3A_121 : i32 to vector<16xi32>
        %add3A_123 = arith.addi %xor3A_15, %add3A_122 : vector<16xi32>
        %select_n3A_124 = arith.select %lt3A_120, %add3A_123, %xor3A_15 : vector<16xi1>, vector<16xi32>
        %broadcast_in_dim3A_125 = vector.shape_cast %select_n3A_124 : vector<16xi32> to vector<16x1xi32>
        %gather3A_126 = vector.shape_cast %broadcast_in_dim3A_125 : vector<16x1xi32> to vector<16xi32>
        %gather3A_127 = tpu.dynamic_gather %gather3A_108[%gather3A_126] in [0] : vector<16xi32>, vector<16xi32> -> vector<16xi32>
        %eq3A_128 = arith.cmpi eq, %gather3A_106, %gather3A_117 : vector<16xi32>
        %bitcast3A = vector.bitcast %gather3A_108 : vector<16xi32> to vector<32xbf16>
        %bitcast3A_129 = vector.bitcast %gather3A_127 : vector<16xi32> to vector<32xbf16>
        %max3A = arith.maximumf %bitcast3A, %bitcast3A_129 : vector<32xbf16>
        %bitcast3A_130 = vector.bitcast %max3A : vector<32xbf16> to vector<16xi32>
        %select_n3A_131 = arith.select %eq3A_128, %bitcast3A_130, %gather3A_108 : vector<16xi1>, vector<16xi32>
        %lt3A_132 = arith.constant 0 : i32
        %lt3A_133 = vector.broadcast %lt3A_132 : i32 to vector<16xi32>
        %lt3A_134 = arith.cmpi slt, %xor3A_18, %lt3A_133 : vector<16xi32>
        %add3A_135 = arith.constant 16 : i32
        %add3A_136 = vector.broadcast %add3A_135 : i32 to vector<16xi32>
        %add3A_137 = arith.addi %xor3A_18, %add3A_136 : vector<16xi32>
        %select_n3A_138 = arith.select %lt3A_134, %add3A_137, %xor3A_18 : vector<16xi1>, vector<16xi32>
        %broadcast_in_dim3A_139 = vector.shape_cast %select_n3A_138 : vector<16xi32> to vector<16x1xi32>
        %gather3A_140 = vector.shape_cast %broadcast_in_dim3A_139 : vector<16x1xi32> to vector<16xi32>
        %gather3A_141 = tpu.dynamic_gather %gather3A_106[%gather3A_140] in [0] : vector<16xi32>, vector<16xi32> -> vector<16xi32>
        %lt3A_142 = arith.constant 0 : i32
        %lt3A_143 = vector.broadcast %lt3A_142 : i32 to vector<16xi32>
        %lt3A_144 = arith.cmpi slt, %xor3A_18, %lt3A_143 : vector<16xi32>
        %add3A_145 = arith.constant 16 : i32
        %add3A_146 = vector.broadcast %add3A_145 : i32 to vector<16xi32>
        %add3A_147 = arith.addi %xor3A_18, %add3A_146 : vector<16xi32>
        %select_n3A_148 = arith.select %lt3A_144, %add3A_147, %xor3A_18 : vector<16xi1>, vector<16xi32>
        %broadcast_in_dim3A_149 = vector.shape_cast %select_n3A_148 : vector<16xi32> to vector<16x1xi32>
        %gather3A_150 = vector.shape_cast %broadcast_in_dim3A_149 : vector<16x1xi32> to vector<16xi32>
        %gather3A_151 = tpu.dynamic_gather %select_n3A_131[%gather3A_150] in [0] : vector<16xi32>, vector<16xi32> -> vector<16xi32>
        %eq3A_152 = arith.cmpi eq, %gather3A_106, %gather3A_141 : vector<16xi32>
        %bitcast3A_153 = vector.bitcast %select_n3A_131 : vector<16xi32> to vector<32xbf16>
        %bitcast3A_154 = vector.bitcast %gather3A_151 : vector<16xi32> to vector<32xbf16>
        %max3A_155 = arith.maximumf %bitcast3A_153, %bitcast3A_154 : vector<32xbf16>
        %bitcast3A_156 = vector.bitcast %max3A_155 : vector<32xbf16> to vector<16xi32>
        %select_n3A_157 = arith.select %eq3A_152, %bitcast3A_156, %select_n3A_131 : vector<16xi1>, vector<16xi32>
        %lt3A_158 = arith.constant 0 : i32
        %lt3A_159 = vector.broadcast %lt3A_158 : i32 to vector<16xi32>
        %lt3A_160 = arith.cmpi slt, %xor3A_21, %lt3A_159 : vector<16xi32>
        %add3A_161 = arith.constant 16 : i32
        %add3A_162 = vector.broadcast %add3A_161 : i32 to vector<16xi32>
        %add3A_163 = arith.addi %xor3A_21, %add3A_162 : vector<16xi32>
        %select_n3A_164 = arith.select %lt3A_160, %add3A_163, %xor3A_21 : vector<16xi1>, vector<16xi32>
        %broadcast_in_dim3A_165 = vector.shape_cast %select_n3A_164 : vector<16xi32> to vector<16x1xi32>
        %gather3A_166 = vector.shape_cast %broadcast_in_dim3A_165 : vector<16x1xi32> to vector<16xi32>
        %gather3A_167 = tpu.dynamic_gather %gather3A_106[%gather3A_166] in [0] : vector<16xi32>, vector<16xi32> -> vector<16xi32>
        %lt3A_168 = arith.constant 0 : i32
        %lt3A_169 = vector.broadcast %lt3A_168 : i32 to vector<16xi32>
        %lt3A_170 = arith.cmpi slt, %xor3A_21, %lt3A_169 : vector<16xi32>
        %add3A_171 = arith.constant 16 : i32
        %add3A_172 = vector.broadcast %add3A_171 : i32 to vector<16xi32>
        %add3A_173 = arith.addi %xor3A_21, %add3A_172 : vector<16xi32>
        %select_n3A_174 = arith.select %lt3A_170, %add3A_173, %xor3A_21 : vector<16xi1>, vector<16xi32>
        %broadcast_in_dim3A_175 = vector.shape_cast %select_n3A_174 : vector<16xi32> to vector<16x1xi32>
        %gather3A_176 = vector.shape_cast %broadcast_in_dim3A_175 : vector<16x1xi32> to vector<16xi32>
        %gather3A_177 = tpu.dynamic_gather %select_n3A_157[%gather3A_176] in [0] : vector<16xi32>, vector<16xi32> -> vector<16xi32>
        %eq3A_178 = arith.cmpi eq, %gather3A_106, %gather3A_167 : vector<16xi32>
        %bitcast3A_179 = vector.bitcast %select_n3A_157 : vector<16xi32> to vector<32xbf16>
        %bitcast3A_180 = vector.bitcast %gather3A_177 : vector<16xi32> to vector<32xbf16>
        %max3A_181 = arith.maximumf %bitcast3A_179, %bitcast3A_180 : vector<32xbf16>
        %bitcast3A_182 = vector.bitcast %max3A_181 : vector<32xbf16> to vector<16xi32>
        %select_n3A_183 = arith.select %eq3A_178, %bitcast3A_182, %select_n3A_157 : vector<16xi1>, vector<16xi32>
        %add3A_184 = arith.addi %mul3A_13, %gather3A_106 : vector<16xi32>
        %mul3A_185 = arith.constant 16 : i32
        %mul3A_186 = arith.muli %scan3A_98, %mul3A_185 : i32
        %add3A_187 = arith.addi %mul3A_91, %mul3A_186 : i32
        %add3A_188 = arith.constant 4 : i32
        %add3A_189 = arith.addi %add3A_187, %add3A_188 : i32
        %broadcast_in_dim3A_190 = vector.broadcast %add3A_189 : i32 to vector<16xi32>
        %add3A_191 = arith.addi %broadcast_in_dim3A_190, %shift_right_logical3A_7 : vector<16xi32>
        %gather3A_192 = tpu.vector_load_idx %arg10[%add3A_191] : memref<4000xi32, #tpu.memory_space<vmem>>[vector<16xi32>], vector<16xi32>,
        %gather3A_193 = tpu.vector_load_idx %arg11[%add3A_191] : memref<4000xi32, #tpu.memory_space<vmem>>[vector<16xi32>], vector<16xi32>,
        %add3A_194 = arith.addi %mul3A_13, %gather3A_192 : vector<16xi32>
        %gather3A_195 = tpu.vector_load_idx %arg7[%add3A_194] : memref<40000xi32, #tpu.memory_space<vmem>>[vector<16xi32>], vector<16xi32>,
        %lt3A_196 = arith.constant 0 : i32
        %lt3A_197 = vector.broadcast %lt3A_196 : i32 to vector<16xi32>
        %lt3A_198 = arith.cmpi slt, %xor3A_15, %lt3A_197 : vector<16xi32>
        %add3A_199 = arith.constant 16 : i32
        %add3A_200 = vector.broadcast %add3A_199 : i32 to vector<16xi32>
        %add3A_201 = arith.addi %xor3A_15, %add3A_200 : vector<16xi32>
        %select_n3A_202 = arith.select %lt3A_198, %add3A_201, %xor3A_15 : vector<16xi1>, vector<16xi32>
        %broadcast_in_dim3A_203 = vector.shape_cast %select_n3A_202 : vector<16xi32> to vector<16x1xi32>
        %gather3A_204 = vector.shape_cast %broadcast_in_dim3A_203 : vector<16x1xi32> to vector<16xi32>
        %gather3A_205 = tpu.dynamic_gather %gather3A_193[%gather3A_204] in [0] : vector<16xi32>, vector<16xi32> -> vector<16xi32>
        %lt3A_206 = arith.constant 0 : i32
        %lt3A_207 = vector.broadcast %lt3A_206 : i32 to vector<16xi32>
        %lt3A_208 = arith.cmpi slt, %xor3A_15, %lt3A_207 : vector<16xi32>
        %add3A_209 = arith.constant 16 : i32
        %add3A_210 = vector.broadcast %add3A_209 : i32 to vector<16xi32>
        %add3A_211 = arith.addi %xor3A_15, %add3A_210 : vector<16xi32>
        %select_n3A_212 = arith.select %lt3A_208, %add3A_211, %xor3A_15 : vector<16xi1>, vector<16xi32>
        %broadcast_in_dim3A_213 = vector.shape_cast %select_n3A_212 : vector<16xi32> to vector<16x1xi32>
        %gather3A_214 = vector.shape_cast %broadcast_in_dim3A_213 : vector<16x1xi32> to vector<16xi32>
        %gather3A_215 = tpu.dynamic_gather %gather3A_195[%gather3A_214] in [0] : vector<16xi32>, vector<16xi32> -> vector<16xi32>
        %eq3A_216 = arith.cmpi eq, %gather3A_193, %gather3A_205 : vector<16xi32>
        %bitcast3A_217 = vector.bitcast %gather3A_195 : vector<16xi32> to vector<32xbf16>
        %bitcast3A_218 = vector.bitcast %gather3A_215 : vector<16xi32> to vector<32xbf16>
        %max3A_219 = arith.maximumf %bitcast3A_217, %bitcast3A_218 : vector<32xbf16>
        %bitcast3A_220 = vector.bitcast %max3A_219 : vector<32xbf16> to vector<16xi32>
        %select_n3A_221 = arith.select %eq3A_216, %bitcast3A_220, %gather3A_195 : vector<16xi1>, vector<16xi32>
        %lt3A_222 = arith.constant 0 : i32
        %lt3A_223 = vector.broadcast %lt3A_222 : i32 to vector<16xi32>
        %lt3A_224 = arith.cmpi slt, %xor3A_18, %lt3A_223 : vector<16xi32>
        %add3A_225 = arith.constant 16 : i32
        %add3A_226 = vector.broadcast %add3A_225 : i32 to vector<16xi32>
        %add3A_227 = arith.addi %xor3A_18, %add3A_226 : vector<16xi32>
        %select_n3A_228 = arith.select %lt3A_224, %add3A_227, %xor3A_18 : vector<16xi1>, vector<16xi32>
        %broadcast_in_dim3A_229 = vector.shape_cast %select_n3A_228 : vector<16xi32> to vector<16x1xi32>
        %gather3A_230 = vector.shape_cast %broadcast_in_dim3A_229 : vector<16x1xi32> to vector<16xi32>
        %gather3A_231 = tpu.dynamic_gather %gather3A_193[%gather3A_230] in [0] : vector<16xi32>, vector<16xi32> -> vector<16xi32>
        %lt3A_232 = arith.constant 0 : i32
        %lt3A_233 = vector.broadcast %lt3A_232 : i32 to vector<16xi32>
        %lt3A_234 = arith.cmpi slt, %xor3A_18, %lt3A_233 : vector<16xi32>
        %add3A_235 = arith.constant 16 : i32
        %add3A_236 = vector.broadcast %add3A_235 : i32 to vector<16xi32>
        %add3A_237 = arith.addi %xor3A_18, %add3A_236 : vector<16xi32>
        %select_n3A_238 = arith.select %lt3A_234, %add3A_237, %xor3A_18 : vector<16xi1>, vector<16xi32>
        %broadcast_in_dim3A_239 = vector.shape_cast %select_n3A_238 : vector<16xi32> to vector<16x1xi32>
        %gather3A_240 = vector.shape_cast %broadcast_in_dim3A_239 : vector<16x1xi32> to vector<16xi32>
        %gather3A_241 = tpu.dynamic_gather %select_n3A_221[%gather3A_240] in [0] : vector<16xi32>, vector<16xi32> -> vector<16xi32>
        %eq3A_242 = arith.cmpi eq, %gather3A_193, %gather3A_231 : vector<16xi32>
        %bitcast3A_243 = vector.bitcast %select_n3A_221 : vector<16xi32> to vector<32xbf16>
        %bitcast3A_244 = vector.bitcast %gather3A_241 : vector<16xi32> to vector<32xbf16>
        %max3A_245 = arith.maximumf %bitcast3A_243, %bitcast3A_244 : vector<32xbf16>
        %bitcast3A_246 = vector.bitcast %max3A_245 : vector<32xbf16> to vector<16xi32>
        %select_n3A_247 = arith.select %eq3A_242, %bitcast3A_246, %select_n3A_221 : vector<16xi1>, vector<16xi32>
        %lt3A_248 = arith.constant 0 : i32
        %lt3A_249 = vector.broadcast %lt3A_248 : i32 to vector<16xi32>
        %lt3A_250 = arith.cmpi slt, %xor3A_21, %lt3A_249 : vector<16xi32>
        %add3A_251 = arith.constant 16 : i32
        %add3A_252 = vector.broadcast %add3A_251 : i32 to vector<16xi32>
        %add3A_253 = arith.addi %xor3A_21, %add3A_252 : vector<16xi32>
        %select_n3A_254 = arith.select %lt3A_250, %add3A_253, %xor3A_21 : vector<16xi1>, vector<16xi32>
        %broadcast_in_dim3A_255 = vector.shape_cast %select_n3A_254 : vector<16xi32> to vector<16x1xi32>
        %gather3A_256 = vector.shape_cast %broadcast_in_dim3A_255 : vector<16x1xi32> to vector<16xi32>
        %gather3A_257 = tpu.dynamic_gather %gather3A_193[%gather3A_256] in [0] : vector<16xi32>, vector<16xi32> -> vector<16xi32>
        %lt3A_258 = arith.constant 0 : i32
        %lt3A_259 = vector.broadcast %lt3A_258 : i32 to vector<16xi32>
        %lt3A_260 = arith.cmpi slt, %xor3A_21, %lt3A_259 : vector<16xi32>
        %add3A_261 = arith.constant 16 : i32
        %add3A_262 = vector.broadcast %add3A_261 : i32 to vector<16xi32>
        %add3A_263 = arith.addi %xor3A_21, %add3A_262 : vector<16xi32>
        %select_n3A_264 = arith.select %lt3A_260, %add3A_263, %xor3A_21 : vector<16xi1>, vector<16xi32>
        %broadcast_in_dim3A_265 = vector.shape_cast %select_n3A_264 : vector<16xi32> to vector<16x1xi32>
        %gather3A_266 = vector.shape_cast %broadcast_in_dim3A_265 : vector<16x1xi32> to vector<16xi32>
        %gather3A_267 = tpu.dynamic_gather %select_n3A_247[%gather3A_266] in [0] : vector<16xi32>, vector<16xi32> -> vector<16xi32>
        %eq3A_268 = arith.cmpi eq, %gather3A_193, %gather3A_257 : vector<16xi32>
        %bitcast3A_269 = vector.bitcast %select_n3A_247 : vector<16xi32> to vector<32xbf16>
        %bitcast3A_270 = vector.bitcast %gather3A_267 : vector<16xi32> to vector<32xbf16>
        %max3A_271 = arith.maximumf %bitcast3A_269, %bitcast3A_270 : vector<32xbf16>
        %bitcast3A_272 = vector.bitcast %max3A_271 : vector<32xbf16> to vector<16xi32>
        %select_n3A_273 = arith.select %eq3A_268, %bitcast3A_272, %select_n3A_247 : vector<16xi1>, vector<16xi32>
        %add3A_274 = arith.addi %mul3A_13, %gather3A_193 : vector<16xi32>
        %mul3A_275 = arith.constant 16 : i32
        %mul3A_276 = arith.muli %scan3A_98, %mul3A_275 : i32
        %add3A_277 = arith.addi %mul3A_91, %mul3A_276 : i32
        %add3A_278 = arith.constant 8 : i32
        %add3A_279 = arith.addi %add3A_277, %add3A_278 : i32
        %broadcast_in_dim3A_280 = vector.broadcast %add3A_279 : i32 to vector<16xi32>
        %add3A_281 = arith.addi %broadcast_in_dim3A_280, %shift_right_logical3A_7 : vector<16xi32>
        %gather3A_282 = tpu.vector_load_idx %arg10[%add3A_281] : memref<4000xi32, #tpu.memory_space<vmem>>[vector<16xi32>], vector<16xi32>,
        %gather3A_283 = tpu.vector_load_idx %arg11[%add3A_281] : memref<4000xi32, #tpu.memory_space<vmem>>[vector<16xi32>], vector<16xi32>,
        %add3A_284 = arith.addi %mul3A_13, %gather3A_282 : vector<16xi32>
        %gather3A_285 = tpu.vector_load_idx %arg7[%add3A_284] : memref<40000xi32, #tpu.memory_space<vmem>>[vector<16xi32>], vector<16xi32>,
        %lt3A_286 = arith.constant 0 : i32
        %lt3A_287 = vector.broadcast %lt3A_286 : i32 to vector<16xi32>
        %lt3A_288 = arith.cmpi slt, %xor3A_15, %lt3A_287 : vector<16xi32>
        %add3A_289 = arith.constant 16 : i32
        %add3A_290 = vector.broadcast %add3A_289 : i32 to vector<16xi32>
        %add3A_291 = arith.addi %xor3A_15, %add3A_290 : vector<16xi32>
        %select_n3A_292 = arith.select %lt3A_288, %add3A_291, %xor3A_15 : vector<16xi1>, vector<16xi32>
        %broadcast_in_dim3A_293 = vector.shape_cast %select_n3A_292 : vector<16xi32> to vector<16x1xi32>
        %gather3A_294 = vector.shape_cast %broadcast_in_dim3A_293 : vector<16x1xi32> to vector<16xi32>
        %gather3A_295 = tpu.dynamic_gather %gather3A_283[%gather3A_294] in [0] : vector<16xi32>, vector<16xi32> -> vector<16xi32>
        %lt3A_296 = arith.constant 0 : i32
        %lt3A_297 = vector.broadcast %lt3A_296 : i32 to vector<16xi32>
        %lt3A_298 = arith.cmpi slt, %xor3A_15, %lt3A_297 : vector<16xi32>
        %add3A_299 = arith.constant 16 : i32
        %add3A_300 = vector.broadcast %add3A_299 : i32 to vector<16xi32>
        %add3A_301 = arith.addi %xor3A_15, %add3A_300 : vector<16xi32>
        %select_n3A_302 = arith.select %lt3A_298, %add3A_301, %xor3A_15 : vector<16xi1>, vector<16xi32>
        %broadcast_in_dim3A_303 = vector.shape_cast %select_n3A_302 : vector<16xi32> to vector<16x1xi32>
        %gather3A_304 = vector.shape_cast %broadcast_in_dim3A_303 : vector<16x1xi32> to vector<16xi32>
        %gather3A_305 = tpu.dynamic_gather %gather3A_285[%gather3A_304] in [0] : vector<16xi32>, vector<16xi32> -> vector<16xi32>
        %eq3A_306 = arith.cmpi eq, %gather3A_283, %gather3A_295 : vector<16xi32>
        %bitcast3A_307 = vector.bitcast %gather3A_285 : vector<16xi32> to vector<32xbf16>
        %bitcast3A_308 = vector.bitcast %gather3A_305 : vector<16xi32> to vector<32xbf16>
        %max3A_309 = arith.maximumf %bitcast3A_307, %bitcast3A_308 : vector<32xbf16>
        %bitcast3A_310 = vector.bitcast %max3A_309 : vector<32xbf16> to vector<16xi32>
        %select_n3A_311 = arith.select %eq3A_306, %bitcast3A_310, %gather3A_285 : vector<16xi1>, vector<16xi32>
        %lt3A_312 = arith.constant 0 : i32
        %lt3A_313 = vector.broadcast %lt3A_312 : i32 to vector<16xi32>
        %lt3A_314 = arith.cmpi slt, %xor3A_18, %lt3A_313 : vector<16xi32>
        %add3A_315 = arith.constant 16 : i32
        %add3A_316 = vector.broadcast %add3A_315 : i32 to vector<16xi32>
        %add3A_317 = arith.addi %xor3A_18, %add3A_316 : vector<16xi32>
        %select_n3A_318 = arith.select %lt3A_314, %add3A_317, %xor3A_18 : vector<16xi1>, vector<16xi32>
        %broadcast_in_dim3A_319 = vector.shape_cast %select_n3A_318 : vector<16xi32> to vector<16x1xi32>
        %gather3A_320 = vector.shape_cast %broadcast_in_dim3A_319 : vector<16x1xi32> to vector<16xi32>
        %gather3A_321 = tpu.dynamic_gather %gather3A_283[%gather3A_320] in [0] : vector<16xi32>, vector<16xi32> -> vector<16xi32>
        %lt3A_322 = arith.constant 0 : i32
        %lt3A_323 = vector.broadcast %lt3A_322 : i32 to vector<16xi32>
        %lt3A_324 = arith.cmpi slt, %xor3A_18, %lt3A_323 : vector<16xi32>
        %add3A_325 = arith.constant 16 : i32
        %add3A_326 = vector.broadcast %add3A_325 : i32 to vector<16xi32>
        %add3A_327 = arith.addi %xor3A_18, %add3A_326 : vector<16xi32>
        %select_n3A_328 = arith.select %lt3A_324, %add3A_327, %xor3A_18 : vector<16xi1>, vector<16xi32>
        %broadcast_in_dim3A_329 = vector.shape_cast %select_n3A_328 : vector<16xi32> to vector<16x1xi32>
        %gather3A_330 = vector.shape_cast %broadcast_in_dim3A_329 : vector<16x1xi32> to vector<16xi32>
        %gather3A_331 = tpu.dynamic_gather %select_n3A_311[%gather3A_330] in [0] : vector<16xi32>, vector<16xi32> -> vector<16xi32>
        %eq3A_332 = arith.cmpi eq, %gather3A_283, %gather3A_321 : vector<16xi32>
        %bitcast3A_333 = vector.bitcast %select_n3A_311 : vector<16xi32> to vector<32xbf16>
        %bitcast3A_334 = vector.bitcast %gather3A_331 : vector<16xi32> to vector<32xbf16>
        %max3A_335 = arith.maximumf %bitcast3A_333, %bitcast3A_334 : vector<32xbf16>
        %bitcast3A_336 = vector.bitcast %max3A_335 : vector<32xbf16> to vector<16xi32>
        %select_n3A_337 = arith.select %eq3A_332, %bitcast3A_336, %select_n3A_311 : vector<16xi1>, vector<16xi32>
        %lt3A_338 = arith.constant 0 : i32
        %lt3A_339 = vector.broadcast %lt3A_338 : i32 to vector<16xi32>
        %lt3A_340 = arith.cmpi slt, %xor3A_21, %lt3A_339 : vector<16xi32>
        %add3A_341 = arith.constant 16 : i32
        %add3A_342 = vector.broadcast %add3A_341 : i32 to vector<16xi32>
        %add3A_343 = arith.addi %xor3A_21, %add3A_342 : vector<16xi32>
        %select_n3A_344 = arith.select %lt3A_340, %add3A_343, %xor3A_21 : vector<16xi1>, vector<16xi32>
        %broadcast_in_dim3A_345 = vector.shape_cast %select_n3A_344 : vector<16xi32> to vector<16x1xi32>
        %gather3A_346 = vector.shape_cast %broadcast_in_dim3A_345 : vector<16x1xi32> to vector<16xi32>
        %gather3A_347 = tpu.dynamic_gather %gather3A_283[%gather3A_346] in [0] : vector<16xi32>, vector<16xi32> -> vector<16xi32>
        %lt3A_348 = arith.constant 0 : i32
        %lt3A_349 = vector.broadcast %lt3A_348 : i32 to vector<16xi32>
        %lt3A_350 = arith.cmpi slt, %xor3A_21, %lt3A_349 : vector<16xi32>
        %add3A_351 = arith.constant 16 : i32
        %add3A_352 = vector.broadcast %add3A_351 : i32 to vector<16xi32>
        %add3A_353 = arith.addi %xor3A_21, %add3A_352 : vector<16xi32>
        %select_n3A_354 = arith.select %lt3A_350, %add3A_353, %xor3A_21 : vector<16xi1>, vector<16xi32>
        %broadcast_in_dim3A_355 = vector.shape_cast %select_n3A_354 : vector<16xi32> to vector<16x1xi32>
        %gather3A_356 = vector.shape_cast %broadcast_in_dim3A_355 : vector<16x1xi32> to vector<16xi32>
        %gather3A_357 = tpu.dynamic_gather %select_n3A_337[%gather3A_356] in [0] : vector<16xi32>, vector<16xi32> -> vector<16xi32>
        %eq3A_358 = arith.cmpi eq, %gather3A_283, %gather3A_347 : vector<16xi32>
        %bitcast3A_359 = vector.bitcast %select_n3A_337 : vector<16xi32> to vector<32xbf16>
        %bitcast3A_360 = vector.bitcast %gather3A_357 : vector<16xi32> to vector<32xbf16>
        %max3A_361 = arith.maximumf %bitcast3A_359, %bitcast3A_360 : vector<32xbf16>
        %bitcast3A_362 = vector.bitcast %max3A_361 : vector<32xbf16> to vector<16xi32>
        %select_n3A_363 = arith.select %eq3A_358, %bitcast3A_362, %select_n3A_337 : vector<16xi1>, vector<16xi32>
        %add3A_364 = arith.addi %mul3A_13, %gather3A_283 : vector<16xi32>
        %mul3A_365 = arith.constant 16 : i32
        %mul3A_366 = arith.muli %scan3A_98, %mul3A_365 : i32
        %add3A_367 = arith.addi %mul3A_91, %mul3A_366 : i32
        %add3A_368 = arith.constant 12 : i32
        %add3A_369 = arith.addi %add3A_367, %add3A_368 : i32
        %broadcast_in_dim3A_370 = vector.broadcast %add3A_369 : i32 to vector<16xi32>
        %add3A_371 = arith.addi %broadcast_in_dim3A_370, %shift_right_logical3A_7 : vector<16xi32>
        %gather3A_372 = tpu.vector_load_idx %arg10[%add3A_371] : memref<4000xi32, #tpu.memory_space<vmem>>[vector<16xi32>], vector<16xi32>,
        %gather3A_373 = tpu.vector_load_idx %arg11[%add3A_371] : memref<4000xi32, #tpu.memory_space<vmem>>[vector<16xi32>], vector<16xi32>,
        %add3A_374 = arith.addi %mul3A_13, %gather3A_372 : vector<16xi32>
        %gather3A_375 = tpu.vector_load_idx %arg7[%add3A_374] : memref<40000xi32, #tpu.memory_space<vmem>>[vector<16xi32>], vector<16xi32>,
        %lt3A_376 = arith.constant 0 : i32
        %lt3A_377 = vector.broadcast %lt3A_376 : i32 to vector<16xi32>
        %lt3A_378 = arith.cmpi slt, %xor3A_15, %lt3A_377 : vector<16xi32>
        %add3A_379 = arith.constant 16 : i32
        %add3A_380 = vector.broadcast %add3A_379 : i32 to vector<16xi32>
        %add3A_381 = arith.addi %xor3A_15, %add3A_380 : vector<16xi32>
        %select_n3A_382 = arith.select %lt3A_378, %add3A_381, %xor3A_15 : vector<16xi1>, vector<16xi32>
        %broadcast_in_dim3A_383 = vector.shape_cast %select_n3A_382 : vector<16xi32> to vector<16x1xi32>
        %gather3A_384 = vector.shape_cast %broadcast_in_dim3A_383 : vector<16x1xi32> to vector<16xi32>
        %gather3A_385 = tpu.dynamic_gather %gather3A_373[%gather3A_384] in [0] : vector<16xi32>, vector<16xi32> -> vector<16xi32>
        %lt3A_386 = arith.constant 0 : i32
        %lt3A_387 = vector.broadcast %lt3A_386 : i32 to vector<16xi32>
        %lt3A_388 = arith.cmpi slt, %xor3A_15, %lt3A_387 : vector<16xi32>
        %add3A_389 = arith.constant 16 : i32
        %add3A_390 = vector.broadcast %add3A_389 : i32 to vector<16xi32>
        %add3A_391 = arith.addi %xor3A_15, %add3A_390 : vector<16xi32>
        %select_n3A_392 = arith.select %lt3A_388, %add3A_391, %xor3A_15 : vector<16xi1>, vector<16xi32>
        %broadcast_in_dim3A_393 = vector.shape_cast %select_n3A_392 : vector<16xi32> to vector<16x1xi32>
        %gather3A_394 = vector.shape_cast %broadcast_in_dim3A_393 : vector<16x1xi32> to vector<16xi32>
        %gather3A_395 = tpu.dynamic_gather %gather3A_375[%gather3A_394] in [0] : vector<16xi32>, vector<16xi32> -> vector<16xi32>
        %eq3A_396 = arith.cmpi eq, %gather3A_373, %gather3A_385 : vector<16xi32>
        %bitcast3A_397 = vector.bitcast %gather3A_375 : vector<16xi32> to vector<32xbf16>
        %bitcast3A_398 = vector.bitcast %gather3A_395 : vector<16xi32> to vector<32xbf16>
        %max3A_399 = arith.maximumf %bitcast3A_397, %bitcast3A_398 : vector<32xbf16>
        %bitcast3A_400 = vector.bitcast %max3A_399 : vector<32xbf16> to vector<16xi32>
        %select_n3A_401 = arith.select %eq3A_396, %bitcast3A_400, %gather3A_375 : vector<16xi1>, vector<16xi32>
        %lt3A_402 = arith.constant 0 : i32
        %lt3A_403 = vector.broadcast %lt3A_402 : i32 to vector<16xi32>
        %lt3A_404 = arith.cmpi slt, %xor3A_18, %lt3A_403 : vector<16xi32>
        %add3A_405 = arith.constant 16 : i32
        %add3A_406 = vector.broadcast %add3A_405 : i32 to vector<16xi32>
        %add3A_407 = arith.addi %xor3A_18, %add3A_406 : vector<16xi32>
        %select_n3A_408 = arith.select %lt3A_404, %add3A_407, %xor3A_18 : vector<16xi1>, vector<16xi32>
        %broadcast_in_dim3A_409 = vector.shape_cast %select_n3A_408 : vector<16xi32> to vector<16x1xi32>
        %gather3A_410 = vector.shape_cast %broadcast_in_dim3A_409 : vector<16x1xi32> to vector<16xi32>
        %gather3A_411 = tpu.dynamic_gather %gather3A_373[%gather3A_410] in [0] : vector<16xi32>, vector<16xi32> -> vector<16xi32>
        %lt3A_412 = arith.constant 0 : i32
        %lt3A_413 = vector.broadcast %lt3A_412 : i32 to vector<16xi32>
        %lt3A_414 = arith.cmpi slt, %xor3A_18, %lt3A_413 : vector<16xi32>
        %add3A_415 = arith.constant 16 : i32
        %add3A_416 = vector.broadcast %add3A_415 : i32 to vector<16xi32>
        %add3A_417 = arith.addi %xor3A_18, %add3A_416 : vector<16xi32>
        %select_n3A_418 = arith.select %lt3A_414, %add3A_417, %xor3A_18 : vector<16xi1>, vector<16xi32>
        %broadcast_in_dim3A_419 = vector.shape_cast %select_n3A_418 : vector<16xi32> to vector<16x1xi32>
        %gather3A_420 = vector.shape_cast %broadcast_in_dim3A_419 : vector<16x1xi32> to vector<16xi32>
        %gather3A_421 = tpu.dynamic_gather %select_n3A_401[%gather3A_420] in [0] : vector<16xi32>, vector<16xi32> -> vector<16xi32>
        %eq3A_422 = arith.cmpi eq, %gather3A_373, %gather3A_411 : vector<16xi32>
        %bitcast3A_423 = vector.bitcast %select_n3A_401 : vector<16xi32> to vector<32xbf16>
        %bitcast3A_424 = vector.bitcast %gather3A_421 : vector<16xi32> to vector<32xbf16>
        %max3A_425 = arith.maximumf %bitcast3A_423, %bitcast3A_424 : vector<32xbf16>
        %bitcast3A_426 = vector.bitcast %max3A_425 : vector<32xbf16> to vector<16xi32>
        %select_n3A_427 = arith.select %eq3A_422, %bitcast3A_426, %select_n3A_401 : vector<16xi1>, vector<16xi32>
        %lt3A_428 = arith.constant 0 : i32
        %lt3A_429 = vector.broadcast %lt3A_428 : i32 to vector<16xi32>
        %lt3A_430 = arith.cmpi slt, %xor3A_21, %lt3A_429 : vector<16xi32>
        %add3A_431 = arith.constant 16 : i32
        %add3A_432 = vector.broadcast %add3A_431 : i32 to vector<16xi32>
        %add3A_433 = arith.addi %xor3A_21, %add3A_432 : vector<16xi32>
        %select_n3A_434 = arith.select %lt3A_430, %add3A_433, %xor3A_21 : vector<16xi1>, vector<16xi32>
        %broadcast_in_dim3A_435 = vector.shape_cast %select_n3A_434 : vector<16xi32> to vector<16x1xi32>
        %gather3A_436 = vector.shape_cast %broadcast_in_dim3A_435 : vector<16x1xi32> to vector<16xi32>
        %gather3A_437 = tpu.dynamic_gather %gather3A_373[%gather3A_436] in [0] : vector<16xi32>, vector<16xi32> -> vector<16xi32>
        %lt3A_438 = arith.constant 0 : i32
        %lt3A_439 = vector.broadcast %lt3A_438 : i32 to vector<16xi32>
        %lt3A_440 = arith.cmpi slt, %xor3A_21, %lt3A_439 : vector<16xi32>
        %add3A_441 = arith.constant 16 : i32
        %add3A_442 = vector.broadcast %add3A_441 : i32 to vector<16xi32>
        %add3A_443 = arith.addi %xor3A_21, %add3A_442 : vector<16xi32>
        %select_n3A_444 = arith.select %lt3A_440, %add3A_443, %xor3A_21 : vector<16xi1>, vector<16xi32>
        %broadcast_in_dim3A_445 = vector.shape_cast %select_n3A_444 : vector<16xi32> to vector<16x1xi32>
        %gather3A_446 = vector.shape_cast %broadcast_in_dim3A_445 : vector<16x1xi32> to vector<16xi32>
        %gather3A_447 = tpu.dynamic_gather %select_n3A_427[%gather3A_446] in [0] : vector<16xi32>, vector<16xi32> -> vector<16xi32>
        %eq3A_448 = arith.cmpi eq, %gather3A_373, %gather3A_437 : vector<16xi32>
        %bitcast3A_449 = vector.bitcast %select_n3A_427 : vector<16xi32> to vector<32xbf16>
        %bitcast3A_450 = vector.bitcast %gather3A_447 : vector<16xi32> to vector<32xbf16>
        %max3A_451 = arith.maximumf %bitcast3A_449, %bitcast3A_450 : vector<32xbf16>
        %bitcast3A_452 = vector.bitcast %max3A_451 : vector<32xbf16> to vector<16xi32>
        %select_n3A_453 = arith.select %eq3A_448, %bitcast3A_452, %select_n3A_427 : vector<16xi1>, vector<16xi32>
        %add3A_454 = arith.addi %mul3A_13, %gather3A_373 : vector<16xi32>
        %gather3A_455 = tpu.vector_load_idx %arg8[%add3A_184] : memref<40000xi32, #tpu.memory_space<vmem>>[vector<16xi32>], vector<16xi32>,
        %bitcast3A_456 = vector.bitcast %gather3A_455 : vector<16xi32> to vector<32xbf16>
        %bitcast3A_457 = vector.bitcast %select_n3A_183 : vector<16xi32> to vector<32xbf16>
        %max3A_458 = arith.maximumf %bitcast3A_456, %bitcast3A_457 : vector<32xbf16>
        %bitcast3A_459 = vector.bitcast %max3A_458 : vector<32xbf16> to vector<16xi32>
        tpu.vector_store_idx %arg8[%add3A_184], %bitcast3A_459 : memref<40000xi32, #tpu.memory_space<vmem>>[vector<16xi32>], vector<16xi32>,
        %gather3A_460 = tpu.vector_load_idx %arg9[%add3A_274] : memref<40000xi32, #tpu.memory_space<vmem>>[vector<16xi32>], vector<16xi32>,
        %bitcast3A_461 = vector.bitcast %gather3A_460 : vector<16xi32> to vector<32xbf16>
        %bitcast3A_462 = vector.bitcast %select_n3A_273 : vector<16xi32> to vector<32xbf16>
        %max3A_463 = arith.maximumf %bitcast3A_461, %bitcast3A_462 : vector<32xbf16>
        %bitcast3A_464 = vector.bitcast %max3A_463 : vector<32xbf16> to vector<16xi32>
        tpu.vector_store_idx %arg9[%add3A_274], %bitcast3A_464 : memref<40000xi32, #tpu.memory_space<vmem>>[vector<16xi32>], vector<16xi32>,
        %gather3A_465 = tpu.vector_load_idx %arg8[%add3A_364] : memref<40000xi32, #tpu.memory_space<vmem>>[vector<16xi32>], vector<16xi32>,
        %bitcast3A_466 = vector.bitcast %gather3A_465 : vector<16xi32> to vector<32xbf16>
        %bitcast3A_467 = vector.bitcast %select_n3A_363 : vector<16xi32> to vector<32xbf16>
        %max3A_468 = arith.maximumf %bitcast3A_466, %bitcast3A_467 : vector<32xbf16>
        %bitcast3A_469 = vector.bitcast %max3A_468 : vector<32xbf16> to vector<16xi32>
        tpu.vector_store_idx %arg8[%add3A_364], %bitcast3A_469 : memref<40000xi32, #tpu.memory_space<vmem>>[vector<16xi32>], vector<16xi32>,
        %gather3A_470 = tpu.vector_load_idx %arg9[%add3A_454] : memref<40000xi32, #tpu.memory_space<vmem>>[vector<16xi32>], vector<16xi32>,
        %bitcast3A_471 = vector.bitcast %gather3A_470 : vector<16xi32> to vector<32xbf16>
        %bitcast3A_472 = vector.bitcast %select_n3A_453 : vector<16xi32> to vector<32xbf16>
        %max3A_473 = arith.maximumf %bitcast3A_471, %bitcast3A_472 : vector<32xbf16>
        %bitcast3A_474 = vector.bitcast %max3A_473 : vector<32xbf16> to vector<16xi32>
        tpu.vector_store_idx %arg9[%add3A_454], %bitcast3A_474 : memref<40000xi32, #tpu.memory_space<vmem>>[vector<16xi32>], vector<16xi32>,
      }
      %scan3A_97 = arith.constant 125 : i32
    }
    %scan3A_51 = arith.constant 80 : i32
    %scan3A_52 = arith.constant 0 : i32
    %scan3A_53 = arith.constant 0 : i32
    %scan3A_54 = arith.constant 2500 : i32
    %scan3A_55 = arith.addi %scan3A_53, %scan3A_54 : i32
    %scan3A_56 = arith.constant 1 : i32
    scf.for %scan3A_65 = %scan3A_53 to %scan3A_55 step %scan3A_56  : i32 {
      %mul3A_66 = arith.constant 16 : i32
      %mul3A_67 = arith.muli %scan3A_65, %mul3A_66 : i32
      %get3A = arith.index_cast %mul3A_67 : i32 to index
      %get3A_68 = tpu.vector_load %arg8[%get3A] {strides = array<i32>} : memref<40000xi32, #tpu.memory_space<vmem>>, vector<16xi32>,
      %mul3A_69 = arith.constant 16 : i32
      %mul3A_70 = arith.muli %scan3A_65, %mul3A_69 : i32
      %get3A_71 = arith.index_cast %mul3A_70 : i32 to index
      %get3A_72 = tpu.vector_load %arg9[%get3A_71] {strides = array<i32>} : memref<40000xi32, #tpu.memory_space<vmem>>, vector<16xi32>,
      %bitcast3A = vector.bitcast %get3A_68 : vector<16xi32> to vector<32xbf16>
      %bitcast3A_73 = vector.bitcast %get3A_72 : vector<16xi32> to vector<32xbf16>
      %max3A = arith.maximumf %bitcast3A, %bitcast3A_73 : vector<32xbf16>
      %bitcast3A_74 = vector.bitcast %max3A : vector<32xbf16> to vector<16xi32>
      %mul3A_75 = arith.constant 16 : i32
      %mul3A_76 = arith.muli %scan3A_65, %mul3A_75 : i32
      %swap3A = arith.index_cast %mul3A_76 : i32 to index
      %swap3A_77 = tpu.vector_load %arg8[%swap3A] {strides = array<i32>} : memref<40000xi32, #tpu.memory_space<vmem>>, vector<16xi32>,
      tpu.vector_store %arg8[%swap3A], %bitcast3A_74 {strides = array<i32>} : memref<40000xi32, #tpu.memory_space<vmem>>, vector<16xi32>,
    }
    %scan3A_57 = arith.constant 2500 : i32
    %eq3A = arith.constant 0 : i32
    %eq3A_58 = arith.cmpi eq, %and3A_1, %eq3A : i32
    %convert_element_type3A = arith.extui %eq3A_58 : i1 to i32
    %cond3A = arith.constant 0 : i32
    %cond3A_59 = arith.cmpi ne, %convert_element_type3A, %cond3A : i32
    scf.if %cond3A_59 {
      %mul3A_65 = arith.constant 40000 : i32
      %mul3A_66 = arith.muli %shift_right_logical3A_2, %mul3A_65 : i32
      "tpu.region"() ({
        %run_scoped3A = tpu.sem_alloc : memref<!tpu.dma_semaphore, #tpu.memory_space<semaphore_mem>>
        %dma_start3A_67 = tpu.memref_slice %arg5[%mul3A_66] : memref<640000xi32, #tpu.memory_space<hbm>> -> memref<40000xi32, #tpu.memory_space<hbm>>
        %dma_start3A_68 = tpu.memref_slice %arg5[%mul3A_66] : memref<640000xi32, #tpu.memory_space<hbm>> -> memref<40000xi32, #tpu.memory_space<hbm>>
        tpu.enqueue_dma source(%arg8 : memref<40000xi32, #tpu.memory_space<vmem>>) target(%dma_start3A_68 : memref<40000xi32, #tpu.memory_space<hbm>>) target_semaphore(%run_scoped3A : memref<!tpu.dma_semaphore, #tpu.memory_space<semaphore_mem>>)
        %dma_wait3A_69 = tpu.memref_slice %arg5[%mul3A_66] : memref<640000xi32, #tpu.memory_space<hbm>> -> memref<40000xi32, #tpu.memory_space<hbm>>
        %dma_wait3A_70 = tpu.memref_slice %arg5[%mul3A_66] : memref<640000xi32, #tpu.memory_space<hbm>> -> memref<40000xi32, #tpu.memory_space<hbm>>
        tpu.wait_dma2 semaphore(%run_scoped3A : memref<!tpu.dma_semaphore, #tpu.memory_space<semaphore_mem>>) src(%arg8 : memref<40000xi32, #tpu.memory_space<vmem>>) dst(%dma_wait3A_70 : memref<40000xi32, #tpu.memory_space<hbm>>)
        tpu.yield
      }) : () -> ()
    } else {
    }
    %eq3A_60 = arith.constant 1 : i32
    %eq3A_61 = arith.cmpi eq, %and3A_1, %eq3A_60 : i32
    %convert_element_type3A_62 = arith.extui %eq3A_61 : i1 to i32
    %cond3A_63 = arith.constant 0 : i32
    %cond3A_64 = arith.cmpi ne, %convert_element_type3A_62, %cond3A_63 : i32
    scf.if %cond3A_64 {
      %mul3A_65 = arith.constant 40000 : i32
      %mul3A_66 = arith.muli %shift_right_logical3A_2, %mul3A_65 : i32
      "tpu.region"() ({
        %run_scoped3A = tpu.sem_alloc : memref<!tpu.dma_semaphore, #tpu.memory_space<semaphore_mem>>
        %dma_start3A_67 = tpu.memref_slice %arg6[%mul3A_66] : memref<640000xi32, #tpu.memory_space<hbm>> -> memref<40000xi32, #tpu.memory_space<hbm>>
        %dma_start3A_68 = tpu.memref_slice %arg6[%mul3A_66] : memref<640000xi32, #tpu.memory_space<hbm>> -> memref<40000xi32, #tpu.memory_space<hbm>>
        tpu.enqueue_dma source(%arg8 : memref<40000xi32, #tpu.memory_space<vmem>>) target(%dma_start3A_68 : memref<40000xi32, #tpu.memory_space<hbm>>) target_semaphore(%run_scoped3A : memref<!tpu.dma_semaphore, #tpu.memory_space<semaphore_mem>>)
        %dma_wait3A_69 = tpu.memref_slice %arg6[%mul3A_66] : memref<640000xi32, #tpu.memory_space<hbm>> -> memref<40000xi32, #tpu.memory_space<hbm>>
        %dma_wait3A_70 = tpu.memref_slice %arg6[%mul3A_66] : memref<640000xi32, #tpu.memory_space<hbm>> -> memref<40000xi32, #tpu.memory_space<hbm>>
        tpu.wait_dma2 semaphore(%run_scoped3A : memref<!tpu.dma_semaphore, #tpu.memory_space<semaphore_mem>>) src(%arg8 : memref<40000xi32, #tpu.memory_space<vmem>>) dst(%dma_wait3A_70 : memref<40000xi32, #tpu.memory_space<hbm>>)
        tpu.yield
      }) : () -> ()
    } else {
    }
    return
  }
}

</mosaic_0001>

<sc_bundles>
// kernel: _sc_call.3.cloned.1.call-start
scs
__scs_entry_jumppad:
0x0: {  	(pc) =	sbr.rel $0x88, $3  }
0x1: {  	(tag) =	ssettag $0x0;
	lr =	simm.s32 $0x1  }
0x2: {  	[smem:$0x3F9E] =	sst lr;
	_ =	strace $0xD0000000  }
0x3: {  	_ = 	snop  }
0x4: {  	_ = 	snop  }
0x5: {  	_ = 	snop  }
0x6: {  	_ = 	snop  }
0x7: {  	_ = 	snop  }
__scs_overlays_trampoline_lowered:
0x8: {  	[smem:$0x3FAD] =	sst s0  }
0x9: {  	[smem:$0x3FAE] =	sst s1  }
0xa: {  	[smem:$0x3FAF] =	sst s2  }
0xb: {  	[smem:$0x3FB0] =	sst s3  }
0xc: {  	[smem:$0x3FB1] =	sst s4  }
0xd: {  	[smem:$0x3FB2] =	sst s5  }
0xe: {  	[smem:$0x3FB3] =	sst s6  }
0xf: {  	[smem:$0x3FB4] =	sst s7  }
0x10: {  	[smem:$0x3FB5] =	sst s8  }
0x11: {  	[smem:$0x3FB6] =	sst s9;
	s0 =	simm.s32 @!p0 $0x0  }
0x12: {  	s1 =	sld [smem:$0x3F9C];
	s0 =	simm.s32 @p0 $0x1  }
0x13: {  	[smem:$0x3FB7] =	sst s0;
	s0 =	simm.s32 @!p1 $0x0  }
0x14: {  	s2 =	sld [smem:$0x3F9B];
	s0 =	simm.s32 @p1 $0x1  }
0x15: {  	[smem:$0x3FB8] =	sst s0;
	s0 =	simm.s32 @!p2 $0x0  }
0x16: {  	s3 =	sld [smem:$0x3FDB];
	s0 =	simm.s32 @p2 $0x1  }
0x17: {  	s4 =	simm.s32 $0x1BF5;
	[smem:$0x3FBA] =	sst s0  }
0x18: {  	s0 =	sld [smem:$0x3F9D];
	_ =	swait.ge [sflag:s4], $0x0  }
0x19: {  	s7 =	sld [smem:$0x3F9E]  }
0x1a: {  	s8 =	sadd.s32 $0xFFFFE003, lr  }
0x1b: {  	s9 =	sadd.s32 $0xFFFFFEF7, lr;
	s5 =	simm.s32 $0xFFFFFFFF;
	p2 =	slt.u32 s8, $0xFFFFF086  }
0x1c: {  	p1 =	slt.u32 s9, $0xF7A;
	s5 =	simm.s32 @!p2 $0x0  }
0x1d: {  	s5 =	simm.s32 @p1 $0x1;
	p0 =	seq.s32 s7, s2  }
0x1e: {  	s7 =	smul.u32 @!p0 $0xF7A, s2;
	p2 =	seq.s32 @!p0 s5, $0x0  }
0x1f: {  	s9 =	smul.u32 $0xF7A, s1;
	s8 =	simm.s32 @!p0 $0x1BF5;
	p2 =	por !p2, p0  }
0x20: {  	[sflag:s8] =	ssyncset.s32 @!p0 $0xFFFFF086;
	s6 =	sadd.s32 @!p0 s3, s7;
	s7 =	simm.s32 @!p0 $0x108  }
0x21: {  	s3 =	sadd.s32 s3, s9;
	s6 =	sadd.s32 @!p0 $0x88, s6;
	s7 =	simm.s32 @p2 $0x1082  }
0x22: {  	[simem:s7], [sflag:s8] =	dma.local @!p0 [hbm:s6], $0xF7A  }
0x23: {  	s9 =	sor.u32 $0xD0000000, s2;
	s6 =	simm.s32 $0x108;
	_ =	swait.ge @!p0 [sflag:s8], $0x0  }
0x24: {  	s3 =	sadd.s32 $0x88, s3;
	s6 =	simm.s32 @!p1 $0x1082;
	[sflag:s4] =	ssyncset.s32 $0xFFFFF086  }
0x25: {  	[simem:s6], [sflag:s4] =	dma.local [hbm:s3], $0xF7A  }
0x26: {  	[smem:$0x3F9E] =	sst s1;
	(tag) =	ssettag s2;
	_ =	strace s9  }
0x27: {  	s1 =	sld [smem:$0x3FAE]  }
0x28: {  	s2 =	sld [smem:$0x3FAF]  }
0x29: {  	s4 =	sld [smem:$0x3FB1]  }
0x2a: {  	p0 =	seq.s32 s5, $0x0;
	s5 =	sld [smem:$0x3FB2]  }
0x2b: {  	s6 =	sld [smem:$0x3FB3]  }
0x2c: {  	s7 =	sld [smem:$0x3FB4]  }
0x2d: {  	s3 =	simm.s32 $0x108;
	s8 =	sld [smem:$0x3FB5]  }
0x2e: {  	s3 =	simm.s32 @!p0 $0x1082;
	s9 =	sld [smem:$0x3FB6]  }
0x2f: {  	lr =	sadd.s32 s0, s3;
	s0 =	sld [smem:$0x3FAD]  }
0x30: {  	s3 =	sld [smem:$0x3FB0]  }
0x31: {  	[smem:$0x3FB9] =	sst s10  }
0x32: {  	s10 =	sld [smem:$0x3FB7];
	_ =	sdelay $0x3  }
0x33: {  	p0 =	seq.s32 s10, $0x1;
	s10 =	sld [smem:$0x3FB9];
	_ =	sdelay $0x3  }
0x34: {  	[smem:$0x3FB9] =	sst s10  }
0x35: {  	s10 =	sld [smem:$0x3FB8];
	_ =	sdelay $0x3  }
0x36: {  	p1 =	seq.s32 s10, $0x1;
	s10 =	sld [smem:$0x3FB9];
	_ =	sdelay $0x3  }
0x37: {  	[smem:$0x3FB9] =	sst s10  }
0x38: {  	s10 =	sld [smem:$0x3FBA]  }
0x39: {  	_ = 	snop;
	(pc) =	sbr.ind lr, $3  }
0x3a: {  	_ = 	snop  }
0x3b: {  	_ = 	snop  }
0x3c: {  	p2 =	seq.s32 s10, $0x1;
	s10 =	sld [smem:$0x3FB9]  }
0x3d: {  	_ =	shalt  }
0x3e: {  	_ =	shalt  }
0x3f: {  	_ =	shalt  }
0x40: {  	_ =	shalt  }
0x41: {  	_ =	shalt  }
0x42: {  	_ =	shalt  }
0x43: {  	_ =	shalt  }
0x44: {  	_ =	shalt  }
0x45: {  	_ =	shalt  }
0x46: {  	_ =	shalt  }
0x47: {  	_ =	shalt  }
0x48: {  	_ =	shalt  }
0x49: {  	_ =	shalt  }
0x4a: {  	_ =	shalt  }
0x4b: {  	_ =	shalt  }
0x4c: {  	_ =	shalt  }
0x4d: {  	_ =	shalt  }
0x4e: {  	_ =	shalt  }
0x4f: {  	_ =	shalt  }
0x50: {  	_ =	shalt  }
0x51: {  	_ =	shalt  }
0x52: {  	_ =	shalt  }
0x53: {  	_ =	shalt  }
0x54: {  	_ =	shalt  }
0x55: {  	_ =	shalt  }
0x56: {  	_ =	shalt  }
0x57: {  	_ =	shalt  }
0x58: {  	_ =	shalt  }
0x59: {  	_ =	shalt  }
0x5a: {  	_ =	shalt  }
0x5b: {  	_ =	shalt  }
0x5c: {  	_ =	shalt  }
0x5d: {  	_ =	shalt  }
0x5e: {  	_ =	shalt  }
0x5f: {  	_ =	shalt  }
0x60: {  	_ =	shalt  }
0x61: {  	_ =	shalt  }
0x62: {  	_ =	shalt  }
0x63: {  	_ =	shalt  }
0x64: {  	_ =	shalt  }
0x65: {  	_ =	shalt  }
0x66: {  	_ =	shalt  }
0x67: {  	_ =	shalt  }
0x68: {  	_ =	shalt  }
0x69: {  	_ =	shalt  }
0x6a: {  	_ =	shalt  }
0x6b: {  	_ =	shalt  }
0x6c: {  	_ =	shalt  }
0x6d: {  	_ =	shalt  }
0x6e: {  	_ =	shalt  }
0x6f: {  	_ =	shalt  }
0x70: {  	_ =	shalt  }
0x71: {  	_ =	shalt  }
0x72: {  	_ =	shalt  }
0x73: {  	_ =	shalt  }
0x74: {  	_ =	shalt  }
0x75: {  	_ =	shalt  }
0x76: {  	_ =	shalt  }
0x77: {  	_ =	shalt  }
0x78: {  	_ =	shalt  }
0x79: {  	_ =	shalt  }
0x7a: {  	_ =	shalt  }
0x7b: {  	_ =	shalt  }
0x7c: {  	_ =	shalt  }
0x7d: {  	_ =	shalt  }
0x7e: {  	_ =	shalt  }
0x7f: {  	_ =	shalt  }
0x80: {  	_ =	shalt  }
0x81: {  	_ =	shalt  }
0x82: {  	_ =	shalt  }
0x83: {  	_ =	shalt  }
0x84: {  	_ =	shalt  }
0x85: {  	_ =	shalt  }
0x86: {  	_ =	shalt  }
0x87: {  	_ =	shalt  }
.Lfunc_end0:
.L_simem_size_0:
called_computation_lowered:
.L_overlay_start_0:
0x88: {  	s2 =	sld [smem:$0x3FD9]  }
0x89: {  	s3 =	sld [smem:$0x3FFE];
	_ =	sdelay $0x1  }
0x8a: {  	s1 =	srdreg.scid  }
0x8b: {  	s0 =	sand.u32 $0x1, s1  }
0x8c: {  	s15 =	sshll.u32 s0, $0xA;
	s2 =	sadd.s32 s3, s2  }
0x8d: {  	s2 =	sadd.s32 s2, s15  }
0x8e: {  	[smem:$0x3FC5] =	sst s2  }
0x8f: {  	_ = 	snop  }
0x90: {  	s2 =	sld [smem:$0x3FD0]  }
0x91: {  	s16 =	sld [smem:$0x3FC9]  }
0x92: {  	s4 =	sld [smem:$0x3FC8]  }
0x93: {  	s6 =	simm.s32 $0xA;
	s7 =	simm.s32 $0x10;
	s5 =	sld [smem:$0x3FC7]  }
0x94: {  	[smem:s7], [sflag:s6] =	dma.local [hbm:s2], $0x1  }
0x95: {  	_ =	swait.eq [sflag:s6], $0x1  }
0x96: {  	[sflag:s6] =	ssyncset.done $0x0  }
0x97: {  	s17 =	sld [smem:$0x10];
	[sflag:s6] =	ssyncadd.s32 $0xFFFFFFFF  }
0x98: {  	s18 =	sld [smem:$0x11];
	(tm) =	ssettm $0x1  }
0x99: {  	s19 =	sld [smem:$0x3FFB];
	_ =	sdelay $0x3  }
0x9a: {  	_ =	strace s19  }
0x9b: {  	s7 =	sld [smem:$0x3FFC];
	_ =	sdelay $0x3  }
0x9c: {  	_ =	strace s7  }
0x9d: {  	s7 =	sld [smem:$0x3FFD];
	_ =	sdelay $0x3  }
0x9e: {  	_ =	strace s7  }
0x9f: {  	_ =	strace $0x8FFFFFFF  }
0xa0: {  	s20 =	sld [smem:$0x3FDB];
	_ =	sdelay $0x1  }
0xa1: {  	s8 =	simm.s32 $_scs_section_size  }
0xa2: {  	s9 =	simm.s32 $_size__tile_overlayer_lowered;
	s10 =	simm.s32 $_tile_overlayer_lowered  }
0xa3: {  	s23 =	simm.s32 $0x1BFF;
	s22 =	sshll.u32 s10, $0x1;
	s7 =	sadd.s32 s8, s20  }
0xa4: {  	s11 =	simm.s32 $0x0;
	s21 =	sshll.u32 s9, $0x1;
	s9 =	sadd.s32 s22, s7  }
0xa5: {  	[timem:s11], [sflag:s23] =	dma.local [hbm:s9], s21  }
0xa6: {  	_ =	swait.ge [sflag:s23], s21  }
0xa7: {  	s8 =	ssub.s32 $0x0, s21;
	[sflag:s23] =	ssyncset.done $0x0  }
0xa8: {  	[sflag:s23] =	ssyncadd.s32 s8;
	_ =	sdelay $0x1  }
0xa9: {  	s24 =	simm.s32 $0x1B8B  }
0xaa: {  	_ =	swait.ge [sflag:s24], $0x1  }
0xab: {  	[sflag:s24] =	ssyncset.done $0x0  }
0xac: {  	s25 =	simm.s32 $0x1B8E;
	[sflag:s24] =	ssyncadd.s32 $0xFFFFFFFF  }
0xad: {  	s26 =	simm.s32 $execute0_lowered;
	[smem:$0x3FD2] =	sst s25  }
0xae: {  	s8 =	sshll.u32 s26, $0x1;
	_ =	strace $0x80000046;
	[dreg:$0x1] =	wrdreg $0xFFFFFFFF  }
0xaf: {  	s28 =	simm.s32 $_size_execute0_lowered;
	s7 =	sadd.s32 s7, s8;
	[dreg:$0x0] =	wrdreg $0x0  }
0xb0: {  	s8 =	sshll.u32 s28, $0x1;
	[dreg:$0x2] =	wrdreg s7  }
0xb1: {  	[dreg:$0x3] =	wrdreg s8  }
0xb2: {  	[dreg:$0x4] =	wrdreg $0xC0  }
0xb3: {  	_ =	task [dreg:s11], $0x5FFFF  }
0xb4: {  	[dreg:$0x1] =	wrdreg $0xFFFFFFFF  }
0xb5: {  	[dreg:$0x0] =	wrdreg $0x60  }
0xb6: {  	[dreg:$0x2] =	wrdreg s16  }
0xb7: {  	[dreg:$0x3] =	wrdreg s4  }
0xb8: {  	[dreg:$0x4] =	wrdreg s5  }
0xb9: {  	[dreg:$0x5] =	wrdreg s17  }
0xba: {  	[dreg:$0x6] =	wrdreg s18  }
0xbb: {  	[dreg:$0x7] =	wrdreg $0x9  }
0xbc: {  	_ =	task.clear_ibuf [dreg:s11], $0x8FFFF;
	_ =	strace $0x90000046  }
0xbd: {  	s29 =	simm.s32 $0x9;
	_ =	strace $0x80000048  }
0xbe: {  	_ =	swait.ge [sflag:s29], $0x1  }
0xbf: {  	[sflag:s29] =	ssyncadd.s32 $0xFFFFFFFF  }
0xc0: {  	_ =	strace $0x90000048  }
0xc1: {  	_ =	sfence  }
0xc2: {  	s30 =	sld [smem:$0x0];
	_ =	sdelay $0x2  }
0xc3: {  	s31 =	sshll.u32 s1, $0xD;
	s1 =	sshrl.u32 s1, $0x2  }
0xc4: {  	s3 =	sand.u32 $0x4000, s31;
	s1 =	sadd.s32 s1, s30  }
0xc5: {  	s0 =	sor.u32 s3, s0;
	s1 =	sshll.u32 s1, $0x11  }
0xc6: {  	s0 =	sor.u32 s1, s0  }
0xc7: {  	s0 =	sadd.s32 $0x8F2B, s0  }
0xc8: {  	[sflag:s0] =	ssyncadd.remote.s32 $0x1  }
0xc9: {  	_ =	sfence.sel $0xFFFF  }
0xca: {  	[dreg:$0x0] =	wrdreg $0xFFFFFFFF;
	(pc) =	sbr.abs _section_cstart, $3  }
0xcb: {  	[dreg:$0x1] =	wrdreg $0xFFFFFFFF  }
0xcc: {  	_ =	task.clear_ibuf [dreg:s11], $0x2FFFF;
	_ =	strace $0x9FFFFFFF  }
0xcd: {  	(tm) =	ssettm $0x7FFFFFFF  }
tec
execute0_lowered:
.L_overlay_start_1:
0x0: {  	(tag) =	ssettag $0x1  }
0x1: {  	s6 =	rddreg [dreg:$0x0]  }
0x2: {  	s1 =	rddreg [dreg:$0x1]  }
0x3: {  	s2 =	rddreg [dreg:$0x2]  }
0x4: {  	s9 =	rddreg [dreg:$0x3]  }
0x5: {  	s10 =	rddreg [dreg:$0x4]  }
0x6: {  	s3 =	srdreg.scid;
	s0 =	rddreg [dreg:$0x5];
	s4 =	simm.s32 $0x0  }
0x7: {  	s14 =	simm.s32 $0x1;
	s15 =	simm.s32 $0x2;
	s16 =	simm.s32 $0x9C80  }
0x8: {  	v0 =	vimm.s32 $0xBA98FEDC;
	v1 =	vimm.s32 $0x32107654;
	s17 =	simm.s32 $0x13900;
	s18 =	sand.u32 $0x1, s3;
	s3 =	stileid.u32  }
0x9: {  	v2 =	vimm.s32 $0xFEDCBA98;
	s19 =	simm.s32 $0x0;
	[smem:$0x7FF] =	sst s4;
	v0 =	vunpack.c.l.s4.s8 v0;
	v1 =	vunpack.c.l.s4.s8 v1;
	s5 =	smul.u32 $0x27100, s18  }
0xa: {  	v3 =	vlaneseq.u32;
	v4 =	vimm.s32 $0x76543210;
	v2 =	vunpack.c.l.s4.s8 v2;
	s7 =	ssub.s32 $0x2, s18;
	s11 =	smul.u32 $0x1388, s3;
	p0 =	seq.s32 s18, $0x1  }
0xb: {  	v4 =	vunpack.c.l.s4.s8 v4;
	_ =	strace $0x80000047;
	s8 =	sshrl.u32 s7, $0x1;
	v5 =	vunpack.c.0.s8.s32 v0;
	v6 =	vunpack.c.0.s8.s32 v1;
	p1 =	seq.s32 @!p0 s18, $0x0  }
0xc: {  	v0 =	vimm.s32 $0xFF80FF80;
	v1 =	vshrl.u32 v3, $0x2;
	v7 =	vunpack.c.0.s8.s32 v2;
	s18 =	simm.s32 $0x3;
	s12 =	sshrl.u32 s5, $0x3;
	s13 =	ssub.s32 s7, s8  }
0xd: {  	v2 =	vand.u32 $0x3, v3;
	v4 =	vunpack.c.0.s8.s32 v4;
	s6 =	sadd.s32 s6, s11;
	s9 =	sadd.s32 s9, s11;
	s10 =	sadd.s32 s10, s11;
	v3 =	vcombine.low v6, v5  }
0xe: {  	v2 =	vmul.u32 $0x2710, v2;
	p1 =	por p0, !p1;
	s7 =	sadd.s32 s1, s12;
	s8 =	sadd.s32 s2, s12;
	v7 =	vand.u32 $0xF, v7;
	v5 =	vand.u32 $0xF, v5  }
0xf: {  	s11 =	smax.u32 s13, $0x1;
	s12 =	simm.s32 $0x1D580;
	s13 =	simm.s32 $0x1E580;
	v4 =	vcombine.low v7, v4;
	v5 =	vcombine.low v5, v6;
	v3 =	vand.u32 $0xF, v3  }
.LBB2_1:
0x10: {  	[tilespmem:s4], [sflag:$0x1] =	stream.linear.gather [hbm4b:s6+s4], $0x9C40, $0x38;
	[tilespmem:$0x1F580] =	vst v63  }
0x11: {  	s20 =	simm.s32 $0x40;
	s21 =	simm.s32 $0x0  }
.LBB2_2:
0x12: {  	p2 =	sne.s32 s20, $0x270C0;
	[tilespmem:s21+$0x9C80] =	vst v0;
	s22 =	smov.u32 s20;
	s20 =	sadd.s32 $0x40, s20  }
.Ltmp0:
0x13: {  	[tilespmem:s21+$0x13900] =	vst v0;
	(pc) =	sbr.rel @p2 .LBB2_2-.Ltmp0, $2  }
0x14: {  	_ =	sdelay $0x2  }
0x15: {  	s21 =	sshra.s32 s22, $0x2  }
0x16: {  	[tilespmem:s21+$0x9C80] =	vst v0  }
0x17: {  	[tilespmem:s21+$0x13900] =	vst v0;
	s20 =	simm.s32 $0x0  }
0x18: {  	[tilespmem:s12], [sflag:$0x2] =	stream.linear.gather [hbm4b:s7+s20], $0x7D0, $0x38;
	[tilespmem:$0x1F580] =	vst v63  }
0x19: {  	_ = 	snop  }
0x1a: {  	[tilespmem:s13], [sflag:$0x2] =	stream.linear.gather [hbm4b:s8+s20], $0x7D0, $0x38;
	[tilespmem:$0x1F580] =	vst v63  }
0x1b: {  	_ =	swait.ge [sflag:s14], $0x9C40  }
0x1c: {  	[sflag:s14] =	ssyncset.done $0x0  }
0x1d: {  	p2 =	por $0x0, $0x0;
	[sflag:s14] =	ssyncadd.s32 $0xFFFF63C0  }
.LBB2_5:
0x1e: {  	s21 =	smov.u32 s20  }
0x1f: {  	s20 =	sadd.s32 $0x1, s20;
	p3 =	seq.s32 s21, $0x4F  }
0x20: {  	s21 =	sand.u32 $0x1, s21;
	s22 =	smul.u32 @!p3 $0x7D0, s20  }
0x21: {  	s21 =	sxor.u32 @!p3 $0x1, s21  }
0x22: {  	s23 =	simm.s32 $0x1;
	s24 =	smul.u32 @!p3 $0x7D0, s21;
	s21 =	sadd.s32 @!p3 s5, s22  }
0x23: {  	s23 =	simm.s32 @!p2 $0x0;
	s22 =	sshrl.u32 @!p3 s21, $0x3  }
0x24: {  	s26 =	simm.s32 @!p3 $0x0;
	s21 =	sadd.s32 @!p3 $0x1D580, s24;
	s25 =	sadd.s32 @!p3 s1, s22  }
0x25: {  	[tilespmem:s21], [sflag:$0x2] =	stream.linear.gather @!p3 [hbm4b:s25+s26], $0x7D0, $0x38;
	[tilespmem:$0x1F580] =	vst v63  }
0x26: {  	s22 =	sadd.s32 @!p3 s2, s22;
	s21 =	smul.u32 $0x7D0, s23;
	s23 =	sadd.s32 @!p3 $0x1E580, s24  }
0x27: {  	[tilespmem:s23], [sflag:$0x2] =	stream.linear.gather @!p3 [hbm4b:s22+s26], $0x7D0, $0x38;
	[tilespmem:$0x1F580] =	vst v63  }
0x28: {  	s24 =	sadd.s32 $0x0, s21;
	_ =	swait.ge [sflag:s15], $0x7D0  }
0x29: {  	v6 =	vor.u32 s24, v1;
	[sflag:s15] =	ssyncset.done $0x0  }
0x2a: {  	[sflag:s15] =	ssyncadd.s32 $0xFFFFF830  }
0x2b: {  	_ =	swait.ge [sflag:s15], $0x7D0  }
0x2c: {  	[sflag:s15] =	ssyncset.done $0x0  }
0x2d: {  	[sflag:s15] =	ssyncadd.s32 $0xFFFFF830  }
0x2e: {  	v7 =	vld.idx.msk [tilespmem:v6+s12+$0x0], $0xffff  }
0x2f: {  	s25 =	sadd.s32 $0x4, s24  }
0x30: {  	v8 =	vor.u32 s25, v1;
	_ =	sdelay $0x2  }
0x31: {  	v7 =	vadd.s32 v2, v7;
	_ =	sdelay $0x1  }
0x32: {  	v9 =	vld.idx.msk [tilespmem:v8+s12+$0x0], $0xffff  }
0x33: {  	s26 =	sadd.s32 $0x8, s24  }
0x34: {  	v10 =	vor.u32 s26, v1;
	v6 =	vld.idx.msk [tilespmem:v6+s13+$0x0], $0xffff  }
0x35: {  	v7 =	vld.idx.msk [tilespmem:v7+s4+$0x0], $0xffff;
	_ =	sdelay $0x1  }
0x36: {  	s22 =	sadd.s32 $0xC, s24;
	v9 =	vadd.s32 v2, v9  }
0x37: {  	v11 =	vor.u32 s22, v1  }
0x38: {  	v12 =	vld.idx.msk [tilespmem:v10+s12+$0x0], $0xffff  }
0x39: {  	v13 =	vperm.xlane v6, v3;
	v14 =	vperm.xlane v7, v3  }
0x3a: {  	v8 =	vld.idx.msk [tilespmem:v8+s13+$0x0], $0xffff  }
0x3b: {  	v46 =	vadd.s32 v2, v6;
	vm0 =	veq.s32 v6, v13;
	v9 =	vld.idx.msk [tilespmem:v9+s4+$0x0], $0xffff;
	v14 =	vmax.bf16 v7, v14  }
0x3c: {  	v15 =	vld.idx.msk [tilespmem:v11+s12+$0x0], $0xffff;
	v7 =	vsel vm0, v14, v7  }
0x3d: {  	v47 =	vperm.xlane v6, v4;
	v12 =	vadd.s32 v2, v12;
	v16 =	vperm.xlane v7, v4;
	_ =	sdelay $0x1  }
0x3e: {  	vm6 =	veq.s32 v6, v47;
	v48 =	vmax.bf16 v7, v16  }
0x3f: {  	v49 =	vperm.xlane v8, v3;
	v17 =	vld.idx.msk [tilespmem:v46+s16+$0x0], $0xffff;
	v51 =	vperm.xlane v9, v3;
	v7 =	vsel vm6, v48, v7  }
0x40: {  	v10 =	vld.idx.msk [tilespmem:v10+s13+$0x0], $0xffff;
	v50 =	vadd.s32 v2, v15;
	v18 =	vperm.xlane v6, v5;
	v19 =	vperm.xlane v7, v5  }
0x41: {  	v52 =	vadd.s32 v2, v8;
	vm7 =	veq.s32 v8, v49;
	v12 =	vld.idx.msk [tilespmem:v12+s4+$0x0], $0xffff;
	v15 =	vmax.bf16 v9, v51  }
0x42: {  	vm1 =	veq.s32 v6, v18;
	v9 =	vsel vm7, v15, v9;
	v6 =	vmax.bf16 v7, v19  }
0x43: {  	v53 =	vperm.xlane v8, v4;
	v6 =	vsel vm1, v6, v7;
	v7 =	vld.idx.msk [tilespmem:v11+s13+$0x0], $0xffff;
	v11 =	vperm.xlane v9, v4  }
0x44: {  	v55 =	vperm.xlane v8, v5;
	v6 =	vmax.bf16 v17, v6  }
0x45: {  	vm8 =	veq.s32 v8, v53;
	v14 =	vld.idx.msk [tilespmem:v50+s4+$0x0], $0xffff;
	[tilespmem:v46+s16+$0x0] =	vst.idx.msk $0xffff, v6;
	v6 =	vmax.bf16 v9, v11  }
0x46: {  	v54 =	vperm.xlane v12, v3;
	v11 =	vld.idx.msk [tilespmem:v52+s17+$0x0], $0xffff;
	v6 =	vsel vm8, v6, v9;
	v9 =	vperm.xlane v10, v3  }
0x47: {  	v57 =	vperm.xlane v10, v4;
	v56 =	vperm.xlane v6, v5  }
0x48: {  	v13 =	vmax.bf16 v12, v54;
	vm9 =	veq.s32 v10, v9;
	v9 =	vadd.s32 v2, v10  }
0x49: {  	vm10 =	veq.s32 v8, v55;
	v8 =	vmax.bf16 v6, v56;
	v12 =	vsel vm9, v13, v12  }
0x4a: {  	v6 =	vsel vm10, v8, v6;
	v8 =	vperm.xlane v12, v4  }
0x4b: {  	vm11 =	veq.s32 v10, v57;
	v6 =	vmax.bf16 v11, v6;
	v11 =	vperm.xlane v7, v3  }
0x4c: {  	[tilespmem:v52+s17+$0x0] =	vst.idx.msk $0xffff, v6;
	v6 =	vmax.bf16 v12, v8;
	v8 =	vperm.xlane v14, v3  }
0x4d: {  	v59 =	vperm.xlane v10, v5;
	v58 =	vld.idx.msk [tilespmem:v9+s16+$0x0], $0xffff;
	v6 =	vsel vm11, v6, v12  }
0x4e: {  	vm12 =	veq.s32 v7, v11;
	v60 =	vperm.xlane v6, v5;
	v61 =	vmax.bf16 v14, v8  }
0x4f: {  	vm13 =	veq.s32 v10, v59;
	v8 =	vadd.s32 v2, v7;
	v10 =	vsel vm12, v61, v14  }
0x50: {  	v62 =	vperm.xlane v7, v4;
	v11 =	vmax.bf16 v6, v60;
	v14 =	vperm.xlane v10, v4  }
0x51: {  	v6 =	vsel vm13, v11, v6  }
0x52: {  	vm14 =	veq.s32 v7, v62;
	v6 =	vmax.bf16 v58, v6;
	v11 =	vmax.bf16 v10, v14  }
0x53: {  	[tilespmem:v9+s16+$0x0] =	vst.idx.msk $0xffff, v6;
	v6 =	vsel vm14, v11, v10  }
0x54: {  	v9 =	vperm.xlane v7, v5;
	v11 =	vld.idx.msk [tilespmem:v8+s17+$0x0], $0xffff;
	v10 =	vperm.xlane v6, v5  }
0x55: {  	s28 =	sadd.s32 $0x10, s21  }
0x56: {  	vm15 =	veq.s32 v7, v9;
	v7 =	vmax.bf16 v6, v10;
	v10 =	vor.u32 s28, v1  }
0x57: {  	s29 =	sadd.s32 $0x4, s28  }
0x58: {  	s30 =	sadd.s32 $0x8, s28;
	s31 =	sadd.s32 $0xC, s28;
	v9 =	vor.u32 s29, v1;
	v63 =	vsel vm15, v7, v6  }
0x59: {  	s22 =	simm.s32 $0x20;
	v7 =	vor.u32 s30, v1;
	v6 =	vor.u32 s31, v1;
	v11 =	vmax.bf16 v11, v63  }
.LBB2_6:
0x5a: {  	p3 =	seq.s32 s22, $0x7C0;
	[tilespmem:v8+s17+$0x0] =	vst.idx.msk $0xffff, v11;
	s23 =	smov.u32 s22;
	s22 =	sadd.s32 $0x10, s22  }
0x5b: {  	v8 =	vld.idx.msk [tilespmem:v10+s12+$0x0], $0xffff;
	_ =	sdelay $0x5  }
0x5c: {  	v8 =	vadd.s32 v2, v8;
	_ =	sdelay $0x1  }
0x5d: {  	v11 =	vld.idx.msk [tilespmem:v9+s12+$0x0], $0xffff;
	_ =	sdelay $0x1  }
0x5e: {  	v10 =	vld.idx.msk [tilespmem:v10+s13+$0x0], $0xffff  }
0x5f: {  	v8 =	vld.idx.msk [tilespmem:v8+s4+$0x0], $0xffff;
	_ =	sdelay $0x2  }
0x60: {  	v11 =	vadd.s32 v2, v11;
	_ =	sdelay $0x1  }
0x61: {  	v12 =	vperm.xlane v10, v3;
	v13 =	vperm.xlane v10, v4;
	v14 =	vld.idx.msk [tilespmem:v7+s12+$0x0], $0xffff  }
0x62: {  	v16 =	vperm.xlane v10, v5;
	v15 =	vperm.xlane v8, v3;
	v9 =	vld.idx.msk [tilespmem:v9+s13+$0x0], $0xffff  }
0x63: {  	vm0 =	veq.s32 v10, v12;
	vm1 =	veq.s32 v10, v13;
	v12 =	vadd.s32 v2, v10;
	v13 =	vld.idx.msk [tilespmem:v6+s12+$0x0], $0xffff  }
0x64: {  	vm2 =	veq.s32 v10, v16;
	v15 =	vmax.bf16 v8, v15;
	v10 =	vld.idx.msk [tilespmem:v11+s4+$0x0], $0xffff  }
0x65: {  	v8 =	vsel vm0, v15, v8  }
0x66: {  	v11 =	vperm.xlane v8, v4  }
0x67: {  	v14 =	vadd.s32 v2, v14  }
0x68: {  	v11 =	vmax.bf16 v8, v11;
	v15 =	vperm.xlane v9, v3;
	v16 =	vperm.xlane v9, v4;
	v17 =	vld.idx.msk [tilespmem:v12+s16+$0x0], $0xffff  }
0x69: {  	v8 =	vsel vm1, v11, v8;
	v11 =	vperm.xlane v9, v5;
	v13 =	vadd.s32 v2, v13  }
0x6a: {  	v18 =	vperm.xlane v8, v5;
	v19 =	vperm.xlane v10, v3;
	vm1 =	veq.s32 v9, v15  }
0x6b: {  	vm3 =	veq.s32 v9, v16;
	vm0 =	veq.s32 v9, v11;
	v9 =	vadd.s32 v2, v9;
	v7 =	vld.idx.msk [tilespmem:v7+s13+$0x0], $0xffff  }
0x6c: {  	v11 =	vmax.bf16 v8, v18;
	v15 =	vmax.bf16 v10, v19;
	v14 =	vld.idx.msk [tilespmem:v14+s4+$0x0], $0xffff  }
0x6d: {  	v8 =	vsel vm2, v11, v8;
	v10 =	vsel vm1, v15, v10;
	v6 =	vld.idx.msk [tilespmem:v6+s13+$0x0], $0xffff  }
0x6e: {  	v11 =	vperm.xlane v10, v4;
	v8 =	vmax.bf16 v17, v8;
	v13 =	vld.idx.msk [tilespmem:v13+s4+$0x0], $0xffff  }
0x6f: {  	[tilespmem:v12+s16+$0x0] =	vst.idx.msk $0xffff, v8  }
0x70: {  	v8 =	vmax.bf16 v10, v11;
	v11 =	vld.idx.msk [tilespmem:v9+s17+$0x0], $0xffff  }
0x71: {  	v8 =	vsel vm3, v8, v10;
	v10 =	vperm.xlane v7, v3;
	v12 =	vperm.xlane v7, v4  }
0x72: {  	v15 =	vperm.xlane v8, v5;
	v16 =	vperm.xlane v14, v3  }
0x73: {  	v17 =	vadd.s32 v2, v7;
	vm1 =	veq.s32 v7, v10;
	v10 =	vperm.xlane v7, v5  }
0x74: {  	v15 =	vmax.bf16 v8, v15;
	v16 =	vmax.bf16 v14, v16;
	v18 =	vperm.xlane v13, v3  }
0x75: {  	v8 =	vsel vm0, v15, v8;
	v14 =	vsel vm1, v16, v14;
	v15 =	vperm.xlane v6, v3  }
0x76: {  	v16 =	vperm.xlane v14, v4;
	v18 =	vmax.bf16 v13, v18;
	v8 =	vmax.bf16 v11, v8  }
0x77: {  	vm0 =	veq.s32 v7, v12;
	vm1 =	veq.s32 v7, v10;
	[tilespmem:v9+s17+$0x0] =	vst.idx.msk $0xffff, v8  }
0x78: {  	vm2 =	veq.s32 v6, v15;
	v7 =	vmax.bf16 v14, v16;
	v8 =	vperm.xlane v6, v4;
	v9 =	vld.idx.msk [tilespmem:v17+s16+$0x0], $0xffff  }
0x79: {  	v11 =	vperm.xlane v6, v5;
	v10 =	vsel vm2, v18, v13;
	v7 =	vsel vm0, v7, v14  }
0x7a: {  	v13 =	vperm.xlane v10, v4;
	v12 =	vperm.xlane v7, v5;
	vm0 =	veq.s32 v6, v8  }
0x7b: {  	vm2 =	veq.s32 v6, v11;
	v8 =	vadd.s32 v2, v6  }
0x7c: {  	v11 =	vmax.bf16 v10, v13;
	v6 =	vmax.bf16 v7, v12  }
0x7d: {  	v6 =	vsel vm1, v6, v7;
	v7 =	vsel vm0, v11, v10  }
0x7e: {  	v10 =	vperm.xlane v7, v5;
	v6 =	vmax.bf16 v9, v6  }
0x7f: {  	[tilespmem:v17+s16+$0x0] =	vst.idx.msk $0xffff, v6  }
0x80: {  	v6 =	vmax.bf16 v7, v10;
	v11 =	vld.idx.msk [tilespmem:v8+s17+$0x0], $0xffff  }
0x81: {  	v12 =	vsel vm2, v6, v7  }
.Ltmp1:
0x82: {  	s23 =	sadd.s32 s23, s21;
	(pc) =	sbr.rel @!p3 .LBB2_6-.Ltmp1, $3  }
0x83: {  	s24 =	sadd.s32 $0x4, s23;
	s25 =	sadd.s32 $0x8, s23;
	v10 =	vor.u32 s23, v1;
	s23 =	sadd.s32 $0xC, s23  }
0x84: {  	v9 =	vor.u32 s24, v1;
	v7 =	vor.u32 s25, v1;
	v6 =	vor.u32 s23, v1;
	_ =	sdelay $0x1  }
0x85: {  	v11 =	vmax.bf16 v11, v12  }
0x86: {  	_ =	sdelay $0x3  }
0x87: {  	[tilespmem:v8+s17+$0x0] =	vst.idx.msk $0xffff, v11  }
0x88: {  	v8 =	vld.idx.msk [tilespmem:v10+s12+$0x0], $0xffff;
	_ =	sdelay $0x4  }
0x89: {  	v8 =	vadd.s32 v2, v8;
	_ =	sdelay $0x1  }
0x8a: {  	v11 =	vld.idx.msk [tilespmem:v9+s12+$0x0], $0xffff;
	_ =	sdelay $0x1  }
0x8b: {  	v30 =	vld.idx.msk [tilespmem:v10+s13+$0x0], $0xffff  }
0x8c: {  	v8 =	vld.idx.msk [tilespmem:v8+s4+$0x0], $0xffff;
	_ =	sdelay $0x1  }
0x8d: {  	v11 =	vadd.s32 v2, v11;
	_ =	sdelay $0x1  }
0x8e: {  	v12 =	vld.idx.msk [tilespmem:v7+s12+$0x0], $0xffff  }
0x8f: {  	v13 =	vperm.xlane v30, v3;
	v14 =	vperm.xlane v8, v3  }
0x90: {  	v31 =	vld.idx.msk [tilespmem:v9+s13+$0x0], $0xffff  }
0x91: {  	v32 =	vadd.s32 v2, v30;
	vm0 =	veq.s32 v30, v13;
	v11 =	vld.idx.msk [tilespmem:v11+s4+$0x0], $0xffff;
	v14 =	vmax.bf16 v8, v14  }
0x92: {  	v15 =	vld.idx.msk [tilespmem:v6+s12+$0x0], $0xffff;
	v8 =	vsel vm0, v14, v8  }
0x93: {  	v33 =	vperm.xlane v30, v4;
	v12 =	vadd.s32 v2, v12;
	v16 =	vperm.xlane v8, v4;
	_ =	sdelay $0x1  }
0x94: {  	vm6 =	veq.s32 v30, v33;
	v34 =	vmax.bf16 v8, v16  }
0x95: {  	v35 =	vperm.xlane v31, v3;
	v17 =	vld.idx.msk [tilespmem:v32+s16+$0x0], $0xffff;
	v37 =	vperm.xlane v11, v3;
	v8 =	vsel vm6, v34, v8  }
0x96: {  	v7 =	vld.idx.msk [tilespmem:v7+s13+$0x0], $0xffff;
	v36 =	vadd.s32 v2, v15;
	v18 =	vperm.xlane v30, v5;
	v19 =	vperm.xlane v8, v5  }
0x97: {  	v38 =	vadd.s32 v2, v31;
	vm7 =	veq.s32 v31, v35;
	v12 =	vld.idx.msk [tilespmem:v12+s4+$0x0], $0xffff;
	v15 =	vmax.bf16 v11, v37  }
0x98: {  	vm1 =	veq.s32 v30, v18;
	v11 =	vsel vm7, v15, v11;
	v39 =	vmax.bf16 v8, v19  }
0x99: {  	v40 =	vperm.xlane v31, v4;
	v41 =	vperm.xlane v11, v4;
	v8 =	vsel vm1, v39, v8  }
0x9a: {  	v6 =	vld.idx.msk [tilespmem:v6+s13+$0x0], $0xffff;
	v8 =	vmax.bf16 v17, v8  }
0x9b: {  	vm8 =	veq.s32 v31, v40;
	v14 =	vld.idx.msk [tilespmem:v36+s4+$0x0], $0xffff;
	v42 =	vmax.bf16 v11, v41;
	[tilespmem:v32+s16+$0x0] =	vst.idx.msk $0xffff, v8  }
0x9c: {  	v44 =	vperm.xlane v7, v3;
	v45 =	vperm.xlane v12, v3;
	v8 =	vsel vm8, v42, v11;
	v43 =	vld.idx.msk [tilespmem:v38+s17+$0x0], $0xffff  }
0x9d: {  	v46 =	vperm.xlane v31, v5;
	v47 =	vperm.xlane v8, v5  }
0x9e: {  	v48 =	vadd.s32 v2, v7;
	vm9 =	veq.s32 v7, v44;
	v13 =	vmax.bf16 v12, v45  }
0x9f: {  	vm10 =	veq.s32 v31, v46;
	v12 =	vsel vm9, v13, v12;
	v49 =	vmax.bf16 v8, v47  }
0xa0: {  	v50 =	vperm.xlane v7, v4;
	v51 =	vperm.xlane v12, v4;
	v8 =	vsel vm10, v49, v8  }
0xa1: {  	v8 =	vmax.bf16 v43, v8  }
0xa2: {  	vm11 =	veq.s32 v7, v50;
	v52 =	vmax.bf16 v12, v51;
	[tilespmem:v38+s17+$0x0] =	vst.idx.msk $0xffff, v8  }
0xa3: {  	v54 =	vperm.xlane v6, v3;
	v53 =	vperm.xlane v14, v3;
	v8 =	vsel vm11, v52, v12;
	v55 =	vld.idx.msk [tilespmem:v48+s16+$0x0], $0xffff  }
0xa4: {  	v56 =	vperm.xlane v7, v5;
	v57 =	vperm.xlane v8, v5  }
0xa5: {  	v58 =	vadd.s32 v2, v6;
	vm12 =	veq.s32 v6, v54;
	v9 =	vmax.bf16 v14, v53  }
0xa6: {  	vm13 =	veq.s32 v7, v56;
	v7 =	vsel vm12, v9, v14;
	v59 =	vmax.bf16 v8, v57  }
0xa7: {  	v60 =	vperm.xlane v6, v4;
	v14 =	vperm.xlane v7, v4;
	v8 =	vsel vm13, v59, v8  }
0xa8: {  	v8 =	vmax.bf16 v55, v8  }
0xa9: {  	vm14 =	veq.s32 v6, v60;
	v61 =	vmax.bf16 v7, v14;
	[tilespmem:v48+s16+$0x0] =	vst.idx.msk $0xffff, v8  }
0xaa: {  	v7 =	vsel vm14, v61, v7;
	v8 =	vld.idx.msk [tilespmem:v58+s17+$0x0], $0xffff  }
0xab: {  	v62 =	vperm.xlane v6, v5;
	v63 =	vperm.xlane v7, v5;
	_ =	sdelay $0x1  }
0xac: {  	vm15 =	veq.s32 v6, v62;
	v6 =	vmax.bf16 v7, v63  }
0xad: {  	v6 =	vsel vm15, v6, v7  }
0xae: {  	v6 =	vmax.bf16 v8, v6  }
0xaf: {  	[tilespmem:v58+s17+$0x0] =	vst.idx.msk $0xffff, v6  }
0xb0: {  	p3 =	seq.s32 s20, $0x50  }
.Ltmp2:
0xb1: {  	_ = 	snop;
	(pc) =	sbr.rel @!p3 .LBB2_5-.Ltmp2, $2  }
0xb2: {  	_ =	sdelay $0x2  }
0xb3: {  	p2 =	por !p2, !p2  }
0xb4: {  	s20 =	simm.s32 $0x0  }
0xb5: {  	s21 =	simm.s32 $0x40;
	v6 =	vld [tilespmem:s20+$0x13900]  }
.LBB2_9:
0xb6: {  	p2 =	sne.s32 s21, $0x270C0;
	v7 =	vld [tilespmem:s20+$0x9C80];
	_ =	sdelay $0x1  }
.Ltmp3:
0xb7: {  	(pc) =	sbr.rel @p2 .LBB2_9-.Ltmp3, $3  }
0xb8: {  	_ =	sdelay $0x1  }
0xb9: {  	s22 =	sshra.s32 s21, $0x2;
	v7 =	vmax.bf16 v7, v6  }
0xba: {  	s21 =	sadd.s32 $0x40, s21;
	v6 =	vld [tilespmem:s22+$0x13900];
	[tilespmem:s20+$0x9C80] =	vst v7;
	s20 =	smov.u32 s22  }
0xbb: {  	v7 =	vld [tilespmem:s20+$0x9C80];
	_ =	sdelay $0x4  }
0xbc: {  	v6 =	vmax.bf16 v7, v6  }
0xbd: {  	s21 =	simm.s32 @!p0 $0x9C80;
	[tilespmem:s20+$0x9C80] =	vst v6;
	s20 =	simm.s32 @!p0 $0x0  }
0xbe: {  	[hbm4b:s9+s20] =	stream.linear.scatter @!p0 [tilespmem:s21], [sflag:$0x3], $0x9C40, $0x38;
	[tilespmem:$0x1F580] =	vst v63  }
0xbf: {  	s20 =	simm.s32 @!p0 $0x3  }
0xc0: {  	s19 =	sadd.s32 $0x1, s19;
	_ =	swait.ge @!p0 [sflag:s20], $0x9C40  }
0xc1: {  	p2 =	sne.s32 s19, s11;
	[sflag:s20] =	ssyncset.done @!p0 $0x0  }
.Ltmp4:
0xc2: {  	[sflag:s20] =	ssyncadd.s32 @!p0 $0xFFFF63C0;
	(pc) =	sbr.rel @p2 .LBB2_1-.Ltmp4, $4  }
0xc3: {  	[hbm4b:s10+s4] =	stream.linear.scatter @p1 [tilespmem:s16], [sflag:$0x3], $0x9C40, $0x38;
	[tilespmem:$0x1F580] =	vst v63  }
0xc4: {  	_ =	swait.ge @p1 [sflag:s18], $0x9C40  }
0xc5: {  	[sflag:s18] =	ssyncset.done @p1 $0x0  }
0xc6: {  	[sflag:s18] =	ssyncadd.s32 @p1 $0xFFFF63C0  }
0xc7: {  	_ =	sfence.sel $0x180000  }
0xc8: {  	[bflag:$0x0] =	sbarrier.arrive $0xFFFF  }
0xc9: {  	p0 =	sne.s32 s3, $0x0;
	_ =	strace $0x90000047  }
0xca: {  	s0 =	sadd.s32 @!p0 $0x100000, s0;
	[bflag:$0x2] =	sbarrier.arrive $0xFFFF  }
0xcb: {  	[sflag:s0] =	ssyncadd.tile.s32 @!p0 $0x1;
	_ =	shalt  }
.Lfunc_end2:
_tile_overlayer_lowered:
.L_overlay_start_2:
0xcc: {  	(tag) =	ssettag $0x2  }
0xcd: {  	s0 =	rddreg [dreg:$0x0];
	s2 =	stileid.u32  }
0xce: {  	s1 =	rddreg [dreg:$0x1];
	p0 =	sne.s32 s2, $0x0  }
0xcf: {  	s3 =	rddreg [dreg:$0x2];
	[bflag:$0x3] =	sbarrier.arrive $0xFFFF;
	s2 =	simm.s32 @!p0 $0x1C03  }
0xd0: {  	[timem:s3], [sflag:s2] =	dma.local @!p0 [hbm:s0], s1  }
0xd1: {  	s0 =	simm.s32 @!p0 $0x3  }
0xd2: {  	_ =	swait.ge @!p0 [sflag:s0], s1  }
0xd3: {  	s1 =	ssub.s32 @!p0 $0x0, s1;
	[sflag:s0] =	ssyncset.done @!p0 $0x0  }
0xd4: {  	[sflag:s0] =	ssyncadd.s32 @!p0 s1  }
0xd5: {  	[bflag:$0x3] =	sbarrier.arrive $0xFFFF  }
0xd6: {  	_ =	shalt  }

</sc_bundles>
